<compile_context>
chip_gen: v7x
topology: tpu7x:2x2x1
jax: 0.10.2.dev20260603
libtpu: 0.0.44.dev20260713+nightly
codegen_flags: <defaults>
</compile_context>

<pallas_src>
import functools

import jax
import jax.numpy as jnp
from jax import lax
from jax.experimental import pallas as pl
from jax.experimental.pallas import tpu as pltpu
from jax.experimental.pallas import tpu_sc as plsc

B_SEG = 2048
NC, NS = 2, 16
NW = NC * NS
SEG_PER_W = B_SEG // NW
CHUNK = 512
LANES = 16
NVEC = 8
NEG_INF = float("-inf")


def _sc_segment_reduce(x, m32, edges):
    N, D = x.shape
    mesh = plsc.VectorSubcoreMesh(core_axis_name="c", subcore_axis_name="s")

    @functools.partial(
        pl.kernel,
        out_type=(
            jax.ShapeDtypeStruct((B_SEG, D), jnp.float32),
            jax.ShapeDtypeStruct((B_SEG, D), jnp.float32),
        ),
        mesh=mesh,
        scratch_types=[
            pltpu.VMEM((CHUNK, D), jnp.float32),
            pltpu.VMEM((CHUNK + LANES,), jnp.int32),
            pltpu.VMEM((SEG_PER_W, D), jnp.float32),
            pltpu.VMEM((SEG_PER_W, D), jnp.float32),
            pltpu.VMEM((SEG_PER_W + 2 * LANES,), jnp.int32),
        ],
    )
    def seg_kernel(x_hbm, m_hbm, edges_hbm, sum_hbm, max_hbm,
                   xbuf, mbuf, acc_s, acc_m, e_v):
        w = lax.axis_index("s") * NC + lax.axis_index("c")
        seg_lo = w * SEG_PER_W
        pltpu.sync_copy(edges_hbm.at[pl.ds(seg_lo, SEG_PER_W + 2 * LANES)], e_v)
        r0 = e_v[pl.ds(0, LANES)][0]
        r1 = e_v[pl.ds(SEG_PER_W, LANES)][0]

        zeros = jnp.zeros((LANES,), jnp.float32)
        ninf = jnp.full((LANES,), NEG_INF, jnp.float32)

        def init_body(i, _):
            s = i // NVEC
            j = i % NVEC
            acc_s[s, pl.ds(j * LANES, LANES)] = zeros
            acc_m[s, pl.ds(j * LANES, LANES)] = ninf
            return 0

        lax.fori_loop(0, SEG_PER_W * NVEC, init_body, 0)

        a0 = (r0 // 8) * 8
        nchunks = (r1 - a0 + CHUNK - 1) // CHUNK

        @pl.loop(0, nchunks, init_carry=jnp.int32(0))
        def _chunks(k, cur):
            s_un = a0 + k * CHUNK
            c0 = jnp.minimum(s_un, N - CHUNK)
            pltpu.sync_copy(x_hbm.at[pl.ds(c0, CHUNK)], xbuf)
            pltpu.sync_copy(m_hbm.at[pl.ds(c0, CHUNK)], mbuf.at[pl.ds(0, CHUNK)])
            lo = jnp.maximum(r0, s_un) - c0
            hi = jnp.minimum(r1, s_un + CHUNK) - c0

            hi0 = jnp.maximum(hi - 1, 0)
            m_last = mbuf[pl.ds(hi0, LANES)][0] - seg_lo
            m_last = jnp.minimum(jnp.maximum(m_last, cur - 1),
                                 SEG_PER_W - 1)

            @pl.loop(cur, m_last + 1)
            def _runs(si):
                st = jnp.maximum(e_v[pl.ds(si, LANES)][0] - c0, lo)
                en = jnp.minimum(e_v[pl.ds(si + 1, LANES)][0] - c0, hi)

                accs = tuple(acc_s[si, pl.ds(j * LANES, LANES)]
                             for j in range(NVEC))
                accm = tuple(acc_m[si, pl.ds(j * LANES, LANES)]
                             for j in range(NVEC))

                @plsc.parallel_loop(st, en, unroll=8, carry=accs + accm)
                def out(r, carry):
                    a = carry[:NVEC]
                    m = carry[NVEC:]
                    vs = tuple(xbuf[r, pl.ds(j * LANES, LANES)]
                               for j in range(NVEC))
                    a = tuple(a[j] + vs[j] for j in range(NVEC))
                    m = tuple(jnp.maximum(m[j], vs[j]) for j in range(NVEC))
                    return a + m

                for j in range(NVEC):
                    acc_s[si, pl.ds(j * LANES, LANES)] = out[j]
                    acc_m[si, pl.ds(j * LANES, LANES)] = out[NVEC + j]

            return jnp.maximum(m_last, cur)

        pltpu.sync_copy(acc_s, sum_hbm.at[pl.ds(seg_lo, SEG_PER_W)])
        pltpu.sync_copy(acc_m, max_hbm.at[pl.ds(seg_lo, SEG_PER_W)])

    return seg_kernel(x, m32, edges)


def _tc_merge(seg_max, seg_sum, W_merge, b_merge):
    B, D = seg_max.shape

    def body(mx_ref, sm_ref, w_ref, b_ref, o_ref):
        mx = mx_ref[...]
        mx = jnp.where(jnp.isfinite(mx), mx, 0.0)
        acc = jnp.dot(mx, w_ref[0:D, :], preferred_element_type=jnp.float32)
        acc = acc + jnp.dot(sm_ref[...], w_ref[D:2 * D, :],
                            preferred_element_type=jnp.float32)
        o_ref[...] = acc + b_ref[...]

    return pl.pallas_call(
        body,
        out_shape=jax.ShapeDtypeStruct((B, W_merge.shape[1]), jnp.float32),
    )(seg_max, seg_sum, W_merge, b_merge)


def kernel(x, membership, W_merge, b_merge):
    m32 = membership.astype(jnp.int32)
    edges = jnp.searchsorted(
        m32, jnp.arange(B_SEG + 1, dtype=jnp.int32), side="left"
    ).astype(jnp.int32)
    edges = jnp.pad(edges, (0, 2 * LANES - 1), constant_values=2 ** 30)
    seg_sum, seg_max = _sc_segment_reduce(x, m32, edges)
    return _tc_merge(seg_max, seg_sum, W_merge, jnp.reshape(b_merge, (1, -1)))

# --- scband reference (transcript-rebuilt; emitter-appended) ---
"""Pipeline reference for scband-graph-readout-22067541967339 (READ-ONLY COPY).

The authoritative reference and input builder live on the scoring server;
editing this copy changes nothing except your own understanding.
"""

import jax, jax.numpy as jnp
import numpy as np

N = 320000
D = 128
B_SEG = 2048

def setup_inputs(seed: int = 0) -> dict:
    key = jax.random.key(seed)
    k1, k2, k3 = jax.random.split(key, 3)
    x = jax.random.normal(k1, (N, D), dtype=jnp.float32)
    membership = jnp.sort(jax.random.randint(k2, (N,), 0, B_SEG).astype(jnp.int64))
    # merge_layer: Linear(in_features=2*D, out_features=D) since 2 readout methods with 'cat' merge
    W_merge = jax.random.normal(k3, (2 * D, D), dtype=jnp.float32) * 0.05
    b_merge = jnp.zeros((D,), dtype=jnp.float32)
    return {"x": x, "membership": membership, "W_merge": W_merge, "b_merge": b_merge}

def reference(x, membership, W_merge, b_merge):
    # B = max(membership) + 1; labels are drawn uniformly from [0, B_SEG) with
    # N >> B_SEG, so the eager max+1 equals the static bound B_SEG.
    B = B_SEG
    # degree_slices is None -> single span covering all nodes; degree_wise=False
    readout_list = []
    # readout_methods = ('max', 'sum')
    seg_max = jax.ops.segment_max(x, membership, num_segments=B)
    # torch_scatter scatter_max leaves empty segments at 0 (zeros-initialized out)
    seg_max = jnp.where(jnp.isfinite(seg_max), seg_max, 0.0)
    readout_list.append(seg_max)
    seg_sum = jax.ops.segment_sum(x, membership, num_segments=B)
    readout_list.append(seg_sum)
    # multiple_readout_merge_method == 'cat' -> concat then merge_layer
    merged = jnp.concatenate(readout_list, axis=-1)
    x_readout = merged @ W_merge + b_merge
    return x_readout

if __name__ == "__main__":
    import jax
    _d = setup_inputs()
    print(jax.jit(kernel)(*tuple(_d.values())))

</pallas_src>

<mosaic_0001>
#map = affine_map<(d0, d1) -> (0, 0)>
#map1 = affine_map<(d0, d1) -> (0)>
module attributes {stable_mosaic.version = 14 : i64} {
  func.func @seg_kernel(%arg0: i32, %arg1: i32, %arg2: memref<320000x128xf32, #tpu.memory_space<hbm>>, %arg3: memref<320000xi32, #tpu.memory_space<hbm>>, %arg4: memref<2080xi32, #tpu.memory_space<hbm>>, %arg5: memref<2048x128xf32, #tpu.memory_space<hbm>>, %arg6: memref<2048x128xf32, #tpu.memory_space<hbm>>, %arg7: memref<512x128xf32, #tpu.memory_space<vmem>>, %arg8: memref<528xi32, #tpu.memory_space<vmem>>, %arg9: memref<64x128xf32, #tpu.memory_space<vmem>>, %arg10: memref<64x128xf32, #tpu.memory_space<vmem>>, %arg11: memref<96xi32, #tpu.memory_space<vmem>>) attributes {dimension_semantics = [#tpu.dimension_semantics<core_parallel>, #tpu.dimension_semantics<subcore_parallel>], iteration_bounds = array<i64: 2, 16>, scalar_prefetch = 0 : i64, scratch_operands = 5 : i64, tpu.core_type = #tpu.core_type<sc_vector_subcore>, window_params = [{transform_indices = #map}, {transform_indices = #map1}, {transform_indices = #map1}, {transform_indices = #map}, {transform_indices = #map}]} {
    %mul3A = arith.constant 2 : i32
    %mul3A_0 = arith.muli %arg1, %mul3A : i32
    %add3A = arith.addi %mul3A_0, %arg0 : i32
    %mul3A_1 = arith.constant 64 : i32
    %mul3A_2 = arith.muli %add3A, %mul3A_1 : i32
    "tpu.region"() ({
      %run_scoped3A = tpu.sem_alloc : memref<!tpu.dma_semaphore, #tpu.memory_space<semaphore_mem>>
      %dma_start3A = tpu.memref_slice %arg4[%mul3A_2] : memref<2080xi32, #tpu.memory_space<hbm>> -> memref<96xi32, #tpu.memory_space<hbm>>
      %dma_start3A_87 = tpu.memref_slice %arg4[%mul3A_2] : memref<2080xi32, #tpu.memory_space<hbm>> -> memref<96xi32, #tpu.memory_space<hbm>>
      tpu.enqueue_dma source(%dma_start3A_87 : memref<96xi32, #tpu.memory_space<hbm>>) target(%arg11 : memref<96xi32, #tpu.memory_space<vmem>>) target_semaphore(%run_scoped3A : memref<!tpu.dma_semaphore, #tpu.memory_space<semaphore_mem>>)
      %dma_wait3A = tpu.memref_slice %arg4[%mul3A_2] : memref<2080xi32, #tpu.memory_space<hbm>> -> memref<96xi32, #tpu.memory_space<hbm>>
      %dma_wait3A_88 = tpu.memref_slice %arg4[%mul3A_2] : memref<2080xi32, #tpu.memory_space<hbm>> -> memref<96xi32, #tpu.memory_space<hbm>>
      tpu.wait_dma2 semaphore(%run_scoped3A : memref<!tpu.dma_semaphore, #tpu.memory_space<semaphore_mem>>) src(%dma_wait3A_88 : memref<96xi32, #tpu.memory_space<hbm>>) dst(%arg11 : memref<96xi32, #tpu.memory_space<vmem>>)
      tpu.yield
    }) : () -> ()
    %get3A = arith.constant 0 : index
    %get3A_3 = tpu.vector_load %arg11[%get3A] {strides = array<i32>} : memref<96xi32, #tpu.memory_space<vmem>>, vector<16xi32>,
    %get3A_4 = vector.shape_cast %get3A_3 : vector<16xi32> to vector<16xi32>
    %slice3A = vector.extract_strided_slice %get3A_4 {offsets = [0], sizes = [1], strides = [1]} : vector<16xi32> to vector<1xi32>
    %squeeze3A = vector.extract %slice3A[0] : i32 from vector<1xi32>
    %get3A_5 = arith.constant 64 : index
    %get3A_6 = tpu.vector_load %arg11[%get3A_5] {strides = array<i32>} : memref<96xi32, #tpu.memory_space<vmem>>, vector<16xi32>,
    %get3A_7 = vector.shape_cast %get3A_6 : vector<16xi32> to vector<16xi32>
    %slice3A_8 = vector.extract_strided_slice %get3A_7 {offsets = [0], sizes = [1], strides = [1]} : vector<16xi32> to vector<1xi32>
    %squeeze3A_9 = vector.extract %slice3A_8[0] : i32 from vector<1xi32>
    %broadcast_in_dim3A = arith.constant 0.000000e+00 : f32
    %broadcast_in_dim3A_10 = vector.broadcast %broadcast_in_dim3A : f32 to vector<16xf32>
    %broadcast_in_dim3A_11 = arith.constant 0xFF800000 : f32
    %broadcast_in_dim3A_12 = vector.broadcast %broadcast_in_dim3A_11 : f32 to vector<16xf32>
    %scan3A = arith.constant 0 : i32
    %scan3A_13 = arith.constant 0 : i32
    %scan3A_14 = arith.constant 512 : i32
    %scan3A_15 = arith.addi %scan3A_13, %scan3A_14 : i32
    %scan3A_16 = arith.constant 1 : i32
    %scan3A_17 = scf.for %scan3A_87 = %scan3A_13 to %scan3A_15 step %scan3A_16 iter_args(%scan3A_88 = %scan3A) -> (i32)  : i32 {
      %jit3A_89 = arith.constant 8 : i32
      %div3A_90 = arith.divsi %scan3A_87, %jit3A_89 : i32
      %sign3A_91 = arith.constant 0 : i32
      %sign3A_92 = arith.cmpi sgt, %scan3A_87, %sign3A_91 : i32
      %sign3A_93 = arith.extui %sign3A_92 : i1 to i32
      %sign3A_94 = arith.constant 0 : i32
      %sign3A_95 = arith.cmpi slt, %scan3A_87, %sign3A_94 : i32
      %sign3A_96 = arith.extui %sign3A_95 : i1 to i32
      %sign3A_97 = arith.subi %sign3A_93, %sign3A_96 : i32
      %sign3A_98 = arith.constant 0 : i32
      %sign3A_99 = arith.cmpi sgt, %jit3A_89, %sign3A_98 : i32
      %sign3A_100 = arith.extui %sign3A_99 : i1 to i32
      %sign3A_101 = arith.constant 0 : i32
      %sign3A_102 = arith.cmpi slt, %jit3A_89, %sign3A_101 : i32
      %sign3A_103 = arith.extui %sign3A_102 : i1 to i32
      %sign3A_104 = arith.subi %sign3A_100, %sign3A_103 : i32
      %ne3A_105 = arith.cmpi ne, %sign3A_97, %sign3A_104 : i32
      %rem3A_106 = arith.remsi %scan3A_87, %jit3A_89 : i32
      %ne3A_107 = arith.constant 0 : i32
      %ne3A_108 = arith.cmpi ne, %rem3A_106, %ne3A_107 : i32
      %and3A_109 = arith.andi %ne3A_105, %ne3A_108 : i1
      %sub3A_110 = arith.constant 1 : i32
      %sub3A_111 = arith.subi %div3A_90, %sub3A_110 : i32
      %select_n3A_112 = arith.select %and3A_109, %sub3A_111, %div3A_90 : i32
      %jit3A_113 = arith.constant 8 : i32
      %eq3A = arith.constant 0 : i32
      %eq3A_114 = arith.cmpi eq, %jit3A_113, %eq3A : i32
      %jit3A_115 = arith.constant 1 : i32
      %select_n3A_116 = arith.select %eq3A_114, %jit3A_115, %jit3A_113 : i32
      %rem3A_117 = arith.remsi %scan3A_87, %select_n3A_116 : i32
      %ne3A_118 = arith.constant 0 : i32
      %ne3A_119 = arith.cmpi ne, %rem3A_117, %ne3A_118 : i32
      %lt3A = arith.constant 0 : i32
      %lt3A_120 = arith.cmpi slt, %rem3A_117, %lt3A : i32
      %lt3A_121 = arith.constant 0 : i32
      %lt3A_122 = arith.cmpi slt, %select_n3A_116, %lt3A_121 : i32
      %ne3A_123 = arith.xori %lt3A_120, %lt3A_122 : i1
      %and3A_124 = arith.andi %ne3A_123, %ne3A_119 : i1
      %add3A_125 = arith.addi %rem3A_117, %select_n3A_116 : i32
      %select_n3A_126 = arith.select %and3A_124, %add3A_125, %rem3A_117 : i32
      %mul3A_127 = arith.constant 16 : i32
      %mul3A_128 = arith.muli %select_n3A_126, %mul3A_127 : i32
      %swap3A = arith.index_cast %select_n3A_112 : i32 to index
      %swap3A_129 = arith.index_cast %mul3A_128 : i32 to index
      %swap3A_130 = tpu.vector_load %arg9[%swap3A, %swap3A_129] {strides = array<i32>} : memref<64x128xf32, #tpu.memory_space<vmem>>, vector<1x16xf32>,
      %swap3A_131 = vector.shape_cast %swap3A_130 : vector<1x16xf32> to vector<16xf32>
      %swap3A_132 = vector.shape_cast %broadcast_in_dim3A_10 : vector<16xf32> to vector<1x16xf32>
      tpu.vector_store %arg9[%swap3A, %swap3A_129], %swap3A_132 {strides = array<i32>} : memref<64x128xf32, #tpu.memory_space<vmem>>, vector<1x16xf32>,
      %mul3A_133 = arith.constant 16 : i32
      %mul3A_134 = arith.muli %select_n3A_126, %mul3A_133 : i32
      %swap3A_135 = arith.index_cast %select_n3A_112 : i32 to index
      %swap3A_136 = arith.index_cast %mul3A_134 : i32 to index
      %swap3A_137 = tpu.vector_load %arg10[%swap3A_135, %swap3A_136] {strides = array<i32>} : memref<64x128xf32, #tpu.memory_space<vmem>>, vector<1x16xf32>,
      %swap3A_138 = vector.shape_cast %swap3A_137 : vector<1x16xf32> to vector<16xf32>
      %swap3A_139 = vector.shape_cast %broadcast_in_dim3A_12 : vector<16xf32> to vector<1x16xf32>
      tpu.vector_store %arg10[%swap3A_135, %swap3A_136], %swap3A_139 {strides = array<i32>} : memref<64x128xf32, #tpu.memory_space<vmem>>, vector<1x16xf32>,
      %scan3A_140 = arith.constant 0 : i32
      scf.yield %scan3A_140 : i32
    }
    %scan3A_18 = arith.constant 512 : i32
    %jit3A = arith.constant 8 : i32
    %div3A = arith.divsi %squeeze3A, %jit3A : i32
    %sign3A = arith.constant 0 : i32
    %sign3A_19 = arith.cmpi sgt, %squeeze3A, %sign3A : i32
    %sign3A_20 = arith.extui %sign3A_19 : i1 to i32
    %sign3A_21 = arith.constant 0 : i32
    %sign3A_22 = arith.cmpi slt, %squeeze3A, %sign3A_21 : i32
    %sign3A_23 = arith.extui %sign3A_22 : i1 to i32
    %sign3A_24 = arith.subi %sign3A_20, %sign3A_23 : i32
    %sign3A_25 = arith.constant 0 : i32
    %sign3A_26 = arith.cmpi sgt, %jit3A, %sign3A_25 : i32
    %sign3A_27 = arith.extui %sign3A_26 : i1 to i32
    %sign3A_28 = arith.constant 0 : i32
    %sign3A_29 = arith.cmpi slt, %jit3A, %sign3A_28 : i32
    %sign3A_30 = arith.extui %sign3A_29 : i1 to i32
    %sign3A_31 = arith.subi %sign3A_27, %sign3A_30 : i32
    %ne3A = arith.cmpi ne, %sign3A_24, %sign3A_31 : i32
    %rem3A = arith.remsi %squeeze3A, %jit3A : i32
    %ne3A_32 = arith.constant 0 : i32
    %ne3A_33 = arith.cmpi ne, %rem3A, %ne3A_32 : i32
    %and3A = arith.andi %ne3A, %ne3A_33 : i1
    %sub3A = arith.constant 1 : i32
    %sub3A_34 = arith.subi %div3A, %sub3A : i32
    %select_n3A = arith.select %and3A, %sub3A_34, %div3A : i32
    %mul3A_35 = arith.constant 8 : i32
    %mul3A_36 = arith.muli %select_n3A, %mul3A_35 : i32
    %sub3A_37 = arith.subi %squeeze3A_9, %mul3A_36 : i32
    %add3A_38 = arith.constant 512 : i32
    %add3A_39 = arith.addi %sub3A_37, %add3A_38 : i32
    %sub3A_40 = arith.constant 1 : i32
    %sub3A_41 = arith.subi %add3A_39, %sub3A_40 : i32
    %jit3A_42 = arith.constant 512 : i32
    %div3A_43 = arith.divsi %sub3A_41, %jit3A_42 : i32
    %sign3A_44 = arith.constant 0 : i32
    %sign3A_45 = arith.cmpi sgt, %sub3A_41, %sign3A_44 : i32
    %sign3A_46 = arith.extui %sign3A_45 : i1 to i32
    %sign3A_47 = arith.constant 0 : i32
    %sign3A_48 = arith.cmpi slt, %sub3A_41, %sign3A_47 : i32
    %sign3A_49 = arith.extui %sign3A_48 : i1 to i32
    %sign3A_50 = arith.subi %sign3A_46, %sign3A_49 : i32
    %sign3A_51 = arith.constant 0 : i32
    %sign3A_52 = arith.cmpi sgt, %jit3A_42, %sign3A_51 : i32
    %sign3A_53 = arith.extui %sign3A_52 : i1 to i32
    %sign3A_54 = arith.constant 0 : i32
    %sign3A_55 = arith.cmpi slt, %jit3A_42, %sign3A_54 : i32
    %sign3A_56 = arith.extui %sign3A_55 : i1 to i32
    %sign3A_57 = arith.subi %sign3A_53, %sign3A_56 : i32
    %ne3A_58 = arith.cmpi ne, %sign3A_50, %sign3A_57 : i32
    %rem3A_59 = arith.remsi %sub3A_41, %jit3A_42 : i32
    %ne3A_60 = arith.constant 0 : i32
    %ne3A_61 = arith.cmpi ne, %rem3A_59, %ne3A_60 : i32
    %and3A_62 = arith.andi %ne3A_58, %ne3A_61 : i1
    %sub3A_63 = arith.constant 1 : i32
    %sub3A_64 = arith.subi %div3A_43, %sub3A_63 : i32
    %select_n3A_65 = arith.select %and3A_62, %sub3A_64, %div3A_43 : i32
    %sub3A_66 = arith.constant 0 : i32
    %sub3A_67 = arith.subi %select_n3A_65, %sub3A_66 : i32
    %sub3A_68 = arith.constant 1 : i32
    %sub3A_69 = arith.constant 1 : i32
    %sub3A_70 = arith.subi %sub3A_68, %sub3A_69 : i32
    %add3A_71 = arith.addi %sub3A_67, %sub3A_70 : i32
    %div3A_72 = arith.constant 1 : i32
    %div3A_73 = arith.divsi %add3A_71, %div3A_72 : i32
    %while3A = arith.constant 1 : i32
    %while3A_74 = arith.constant 0 : i32
    %while3A_75 = arith.constant 0 : i32
    %while3A_76 = arith.constant 0 : i32
    %while3A_77 = arith.subi %div3A_73, %while3A_75 : i32
    %while3A_78 = arith.addi %while3A_75, %while3A_77 : i32
    %while3A_79 = arith.constant 1 : i32
    %while3A_80 = arith.divsi %while3A_77, %while3A_79 : i32
    %while3A_81 = arith.muli %while3A_80, %while3A_79 : i32
    %while3A_82 = arith.addi %while3A_75, %while3A_81 : i32
    %while3A_83 = arith.constant 1 : i32
    %while3A_84 = scf.for %while3A_87 = %while3A_75 to %while3A_82 step %while3A_83 iter_args(%while3A_88 = %while3A_76) -> (i32)  : i32 {
      %mul3A_89 = arith.muli %while3A_87, %while3A : i32
      %add3A_90 = arith.addi %while3A_74, %mul3A_89 : i32
      %mul3A_91 = arith.constant 512 : i32
      %mul3A_92 = arith.muli %add3A_90, %mul3A_91 : i32
      %add3A_93 = arith.addi %mul3A_36, %mul3A_92 : i32
      %min3A = arith.constant 319488 : i32
      %min3A_94 = arith.minsi %add3A_93, %min3A : i32
      "tpu.region"() ({
        %run_scoped3A = tpu.sem_alloc : memref<!tpu.dma_semaphore, #tpu.memory_space<semaphore_mem>>
        %dma_start3A = arith.constant 0 : i32
        %dma_start3A_135 = tpu.memref_slice %arg2[%min3A_94, %dma_start3A] : memref<320000x128xf32, #tpu.memory_space<hbm>> -> memref<512x128xf32, #tpu.memory_space<hbm>>
        %dma_start3A_136 = arith.constant 0 : i32
        %dma_start3A_137 = tpu.memref_slice %arg2[%min3A_94, %dma_start3A_136] : memref<320000x128xf32, #tpu.memory_space<hbm>> -> memref<512x128xf32, #tpu.memory_space<hbm>>
        tpu.enqueue_dma source(%dma_start3A_137 : memref<512x128xf32, #tpu.memory_space<hbm>>) target(%arg7 : memref<512x128xf32, #tpu.memory_space<vmem>>) target_semaphore(%run_scoped3A : memref<!tpu.dma_semaphore, #tpu.memory_space<semaphore_mem>>)
        %dma_wait3A = arith.constant 0 : i32
        %dma_wait3A_138 = tpu.memref_slice %arg2[%min3A_94, %dma_wait3A] : memref<320000x128xf32, #tpu.memory_space<hbm>> -> memref<512x128xf32, #tpu.memory_space<hbm>>
        %dma_wait3A_139 = arith.constant 0 : i32
        %dma_wait3A_140 = tpu.memref_slice %arg2[%min3A_94, %dma_wait3A_139] : memref<320000x128xf32, #tpu.memory_space<hbm>> -> memref<512x128xf32, #tpu.memory_space<hbm>>
        tpu.wait_dma2 semaphore(%run_scoped3A : memref<!tpu.dma_semaphore, #tpu.memory_space<semaphore_mem>>) src(%dma_wait3A_140 : memref<512x128xf32, #tpu.memory_space<hbm>>) dst(%arg7 : memref<512x128xf32, #tpu.memory_space<vmem>>)
        tpu.yield
      }) : () -> ()
      "tpu.region"() ({
        %run_scoped3A = tpu.sem_alloc : memref<!tpu.dma_semaphore, #tpu.memory_space<semaphore_mem>>
        %dma_start3A = arith.constant 0 : i32
        %dma_start3A_135 = tpu.memref_slice %arg8[%dma_start3A] : memref<528xi32, #tpu.memory_space<vmem>> -> memref<512xi32, #tpu.memory_space<vmem>>
        %dma_start3A_136 = tpu.memref_slice %arg3[%min3A_94] : memref<320000xi32, #tpu.memory_space<hbm>> -> memref<512xi32, #tpu.memory_space<hbm>>
        %dma_start3A_137 = arith.constant 0 : i32
        %dma_start3A_138 = tpu.memref_slice %arg8[%dma_start3A_137] : memref<528xi32, #tpu.memory_space<vmem>> -> memref<512xi32, #tpu.memory_space<vmem>>
        %dma_start3A_139 = tpu.memref_slice %arg3[%min3A_94] : memref<320000xi32, #tpu.memory_space<hbm>> -> memref<512xi32, #tpu.memory_space<hbm>>
        tpu.enqueue_dma source(%dma_start3A_139 : memref<512xi32, #tpu.memory_space<hbm>>) target(%dma_start3A_138 : memref<512xi32, #tpu.memory_space<vmem>>) target_semaphore(%run_scoped3A : memref<!tpu.dma_semaphore, #tpu.memory_space<semaphore_mem>>)
        %dma_wait3A = arith.constant 0 : i32
        %dma_wait3A_140 = tpu.memref_slice %arg8[%dma_wait3A] : memref<528xi32, #tpu.memory_space<vmem>> -> memref<512xi32, #tpu.memory_space<vmem>>
        %dma_wait3A_141 = tpu.memref_slice %arg3[%min3A_94] : memref<320000xi32, #tpu.memory_space<hbm>> -> memref<512xi32, #tpu.memory_space<hbm>>
        %dma_wait3A_142 = arith.constant 0 : i32
        %dma_wait3A_143 = tpu.memref_slice %arg8[%dma_wait3A_142] : memref<528xi32, #tpu.memory_space<vmem>> -> memref<512xi32, #tpu.memory_space<vmem>>
        %dma_wait3A_144 = tpu.memref_slice %arg3[%min3A_94] : memref<320000xi32, #tpu.memory_space<hbm>> -> memref<512xi32, #tpu.memory_space<hbm>>
        tpu.wait_dma2 semaphore(%run_scoped3A : memref<!tpu.dma_semaphore, #tpu.memory_space<semaphore_mem>>) src(%dma_wait3A_144 : memref<512xi32, #tpu.memory_space<hbm>>) dst(%dma_wait3A_143 : memref<512xi32, #tpu.memory_space<vmem>>)
        tpu.yield
      }) : () -> ()
      %max3A = arith.maxsi %squeeze3A, %add3A_93 : i32
      %sub3A_95 = arith.subi %max3A, %min3A_94 : i32
      %add3A_96 = arith.constant 512 : i32
      %add3A_97 = arith.addi %add3A_93, %add3A_96 : i32
      %min3A_98 = arith.minsi %squeeze3A_9, %add3A_97 : i32
      %sub3A_99 = arith.subi %min3A_98, %min3A_94 : i32
      %sub3A_100 = arith.constant 1 : i32
      %sub3A_101 = arith.subi %sub3A_99, %sub3A_100 : i32
      %max3A_102 = arith.constant 0 : i32
      %max3A_103 = arith.maxsi %sub3A_101, %max3A_102 : i32
      %get3A_104 = arith.index_cast %max3A_103 : i32 to index
      %get3A_105 = tpu.vector_load %arg8[%get3A_104] {strides = array<i32>} : memref<528xi32, #tpu.memory_space<vmem>>, vector<16xi32>,
      %get3A_106 = vector.shape_cast %get3A_105 : vector<16xi32> to vector<16xi32>
      %slice3A_107 = vector.extract_strided_slice %get3A_106 {offsets = [0], sizes = [1], strides = [1]} : vector<16xi32> to vector<1xi32>
      %squeeze3A_108 = vector.extract %slice3A_107[0] : i32 from vector<1xi32>
      %sub3A_109 = arith.subi %squeeze3A_108, %mul3A_2 : i32
      %sub3A_110 = arith.constant 1 : i32
      %sub3A_111 = arith.subi %while3A_88, %sub3A_110 : i32
      %max3A_112 = arith.maxsi %sub3A_109, %sub3A_111 : i32
      %min3A_113 = arith.constant 63 : i32
      %min3A_114 = arith.minsi %max3A_112, %min3A_113 : i32
      %add3A_115 = arith.constant 1 : i32
      %add3A_116 = arith.addi %min3A_114, %add3A_115 : i32
      %sub3A_117 = arith.subi %add3A_116, %while3A_88 : i32
      %sub3A_118 = arith.constant 1 : i32
      %sub3A_119 = arith.constant 1 : i32
      %sub3A_120 = arith.subi %sub3A_118, %sub3A_119 : i32
      %add3A_121 = arith.addi %sub3A_117, %sub3A_120 : i32
      %div3A_122 = arith.constant 1 : i32
      %div3A_123 = arith.divsi %add3A_121, %div3A_122 : i32
      %while3A_124 = arith.constant 1 : i32
      %while3A_125 = arith.constant 0 : i32
      %while3A_126 = arith.subi %div3A_123, %while3A_125 : i32
      %while3A_127 = arith.addi %while3A_125, %while3A_126 : i32
      %while3A_128 = arith.constant 1 : i32
      %while3A_129 = arith.divsi %while3A_126, %while3A_128 : i32
      %while3A_130 = arith.muli %while3A_129, %while3A_128 : i32
      %while3A_131 = arith.addi %while3A_125, %while3A_130 : i32
      %while3A_132 = arith.constant 1 : i32
      scf.for %while3A_135 = %while3A_125 to %while3A_131 step %while3A_132  : i32 {
        %mul3A_136 = arith.muli %while3A_135, %while3A_124 : i32
        %add3A_137 = arith.addi %while3A_88, %mul3A_136 : i32
        %get3A_138 = arith.index_cast %add3A_137 : i32 to index
        %get3A_139 = tpu.vector_load %arg11[%get3A_138] {strides = array<i32>} : memref<96xi32, #tpu.memory_space<vmem>>, vector<16xi32>,
        %get3A_140 = vector.shape_cast %get3A_139 : vector<16xi32> to vector<16xi32>
        %slice3A_141 = vector.extract_strided_slice %get3A_140 {offsets = [0], sizes = [1], strides = [1]} : vector<16xi32> to vector<1xi32>
        %squeeze3A_142 = vector.extract %slice3A_141[0] : i32 from vector<1xi32>
        %sub3A_143 = arith.subi %squeeze3A_142, %min3A_94 : i32
        %max3A_144 = arith.maxsi %sub3A_143, %sub3A_95 : i32
        %add3A_145 = arith.constant 1 : i32
        %add3A_146 = arith.addi %add3A_137, %add3A_145 : i32
        %get3A_147 = arith.index_cast %add3A_146 : i32 to index
        %get3A_148 = tpu.vector_load %arg11[%get3A_147] {strides = array<i32>} : memref<96xi32, #tpu.memory_space<vmem>>, vector<16xi32>,
        %get3A_149 = vector.shape_cast %get3A_148 : vector<16xi32> to vector<16xi32>
        %slice3A_150 = vector.extract_strided_slice %get3A_149 {offsets = [0], sizes = [1], strides = [1]} : vector<16xi32> to vector<1xi32>
        %squeeze3A_151 = vector.extract %slice3A_150[0] : i32 from vector<1xi32>
        %sub3A_152 = arith.subi %squeeze3A_151, %min3A_94 : i32
        %min3A_153 = arith.minsi %sub3A_152, %sub3A_99 : i32
        %get3A_154 = arith.index_cast %add3A_137 : i32 to index
        %get3A_155 = arith.constant 0 : index
        %get3A_156 = tpu.vector_load %arg9[%get3A_154, %get3A_155] {strides = array<i32>} : memref<64x128xf32, #tpu.memory_space<vmem>>, vector<1x16xf32>,
        %get3A_157 = vector.shape_cast %get3A_156 : vector<1x16xf32> to vector<16xf32>
        %get3A_158 = arith.index_cast %add3A_137 : i32 to index
        %get3A_159 = arith.constant 16 : index
        %get3A_160 = tpu.vector_load %arg9[%get3A_158, %get3A_159] {strides = array<i32>} : memref<64x128xf32, #tpu.memory_space<vmem>>, vector<1x16xf32>,
        %get3A_161 = vector.shape_cast %get3A_160 : vector<1x16xf32> to vector<16xf32>
        %get3A_162 = arith.index_cast %add3A_137 : i32 to index
        %get3A_163 = arith.constant 32 : index
        %get3A_164 = tpu.vector_load %arg9[%get3A_162, %get3A_163] {strides = array<i32>} : memref<64x128xf32, #tpu.memory_space<vmem>>, vector<1x16xf32>,
        %get3A_165 = vector.shape_cast %get3A_164 : vector<1x16xf32> to vector<16xf32>
        %get3A_166 = arith.index_cast %add3A_137 : i32 to index
        %get3A_167 = arith.constant 48 : index
        %get3A_168 = tpu.vector_load %arg9[%get3A_166, %get3A_167] {strides = array<i32>} : memref<64x128xf32, #tpu.memory_space<vmem>>, vector<1x16xf32>,
        %get3A_169 = vector.shape_cast %get3A_168 : vector<1x16xf32> to vector<16xf32>
        %get3A_170 = arith.index_cast %add3A_137 : i32 to index
        %get3A_171 = arith.constant 64 : index
        %get3A_172 = tpu.vector_load %arg9[%get3A_170, %get3A_171] {strides = array<i32>} : memref<64x128xf32, #tpu.memory_space<vmem>>, vector<1x16xf32>,
        %get3A_173 = vector.shape_cast %get3A_172 : vector<1x16xf32> to vector<16xf32>
        %get3A_174 = arith.index_cast %add3A_137 : i32 to index
        %get3A_175 = arith.constant 80 : index
        %get3A_176 = tpu.vector_load %arg9[%get3A_174, %get3A_175] {strides = array<i32>} : memref<64x128xf32, #tpu.memory_space<vmem>>, vector<1x16xf32>,
        %get3A_177 = vector.shape_cast %get3A_176 : vector<1x16xf32> to vector<16xf32>
        %get3A_178 = arith.index_cast %add3A_137 : i32 to index
        %get3A_179 = arith.constant 96 : index
        %get3A_180 = tpu.vector_load %arg9[%get3A_178, %get3A_179] {strides = array<i32>} : memref<64x128xf32, #tpu.memory_space<vmem>>, vector<1x16xf32>,
        %get3A_181 = vector.shape_cast %get3A_180 : vector<1x16xf32> to vector<16xf32>
        %get3A_182 = arith.index_cast %add3A_137 : i32 to index
        %get3A_183 = arith.constant 112 : index
        %get3A_184 = tpu.vector_load %arg9[%get3A_182, %get3A_183] {strides = array<i32>} : memref<64x128xf32, #tpu.memory_space<vmem>>, vector<1x16xf32>,
        %get3A_185 = vector.shape_cast %get3A_184 : vector<1x16xf32> to vector<16xf32>
        %get3A_186 = arith.index_cast %add3A_137 : i32 to index
        %get3A_187 = arith.constant 0 : index
        %get3A_188 = tpu.vector_load %arg10[%get3A_186, %get3A_187] {strides = array<i32>} : memref<64x128xf32, #tpu.memory_space<vmem>>, vector<1x16xf32>,
        %get3A_189 = vector.shape_cast %get3A_188 : vector<1x16xf32> to vector<16xf32>
        %get3A_190 = arith.index_cast %add3A_137 : i32 to index
        %get3A_191 = arith.constant 16 : index
        %get3A_192 = tpu.vector_load %arg10[%get3A_190, %get3A_191] {strides = array<i32>} : memref<64x128xf32, #tpu.memory_space<vmem>>, vector<1x16xf32>,
        %get3A_193 = vector.shape_cast %get3A_192 : vector<1x16xf32> to vector<16xf32>
        %get3A_194 = arith.index_cast %add3A_137 : i32 to index
        %get3A_195 = arith.constant 32 : index
        %get3A_196 = tpu.vector_load %arg10[%get3A_194, %get3A_195] {strides = array<i32>} : memref<64x128xf32, #tpu.memory_space<vmem>>, vector<1x16xf32>,
        %get3A_197 = vector.shape_cast %get3A_196 : vector<1x16xf32> to vector<16xf32>
        %get3A_198 = arith.index_cast %add3A_137 : i32 to index
        %get3A_199 = arith.constant 48 : index
        %get3A_200 = tpu.vector_load %arg10[%get3A_198, %get3A_199] {strides = array<i32>} : memref<64x128xf32, #tpu.memory_space<vmem>>, vector<1x16xf32>,
        %get3A_201 = vector.shape_cast %get3A_200 : vector<1x16xf32> to vector<16xf32>
        %get3A_202 = arith.index_cast %add3A_137 : i32 to index
        %get3A_203 = arith.constant 64 : index
        %get3A_204 = tpu.vector_load %arg10[%get3A_202, %get3A_203] {strides = array<i32>} : memref<64x128xf32, #tpu.memory_space<vmem>>, vector<1x16xf32>,
        %get3A_205 = vector.shape_cast %get3A_204 : vector<1x16xf32> to vector<16xf32>
        %get3A_206 = arith.index_cast %add3A_137 : i32 to index
        %get3A_207 = arith.constant 80 : index
        %get3A_208 = tpu.vector_load %arg10[%get3A_206, %get3A_207] {strides = array<i32>} : memref<64x128xf32, #tpu.memory_space<vmem>>, vector<1x16xf32>,
        %get3A_209 = vector.shape_cast %get3A_208 : vector<1x16xf32> to vector<16xf32>
        %get3A_210 = arith.index_cast %add3A_137 : i32 to index
        %get3A_211 = arith.constant 96 : index
        %get3A_212 = tpu.vector_load %arg10[%get3A_210, %get3A_211] {strides = array<i32>} : memref<64x128xf32, #tpu.memory_space<vmem>>, vector<1x16xf32>,
        %get3A_213 = vector.shape_cast %get3A_212 : vector<1x16xf32> to vector<16xf32>
        %get3A_214 = arith.index_cast %add3A_137 : i32 to index
        %get3A_215 = arith.constant 112 : index
        %get3A_216 = tpu.vector_load %arg10[%get3A_214, %get3A_215] {strides = array<i32>} : memref<64x128xf32, #tpu.memory_space<vmem>>, vector<1x16xf32>,
        %get3A_217 = vector.shape_cast %get3A_216 : vector<1x16xf32> to vector<16xf32>
        %parallel_loop3A = arith.constant 1 : i32
        %parallel_loop3A_218:16 = scf.for %parallel_loop3A_298 = %max3A_144 to %min3A_153 step %parallel_loop3A iter_args(%parallel_loop3A_299 = %get3A_157, %parallel_loop3A_300 = %get3A_161, %parallel_loop3A_301 = %get3A_165, %parallel_loop3A_302 = %get3A_169, %parallel_loop3A_303 = %get3A_173, %parallel_loop3A_304 = %get3A_177, %parallel_loop3A_305 = %get3A_181, %parallel_loop3A_306 = %get3A_185, %parallel_loop3A_307 = %get3A_189, %parallel_loop3A_308 = %get3A_193, %parallel_loop3A_309 = %get3A_197, %parallel_loop3A_310 = %get3A_201, %parallel_loop3A_311 = %get3A_205, %parallel_loop3A_312 = %get3A_209, %parallel_loop3A_313 = %get3A_213, %parallel_loop3A_314 = %get3A_217) -> (vector<16xf32>, vector<16xf32>, vector<16xf32>, vector<16xf32>, vector<16xf32>, vector<16xf32>, vector<16xf32>, vector<16xf32>, vector<16xf32>, vector<16xf32>, vector<16xf32>, vector<16xf32>, vector<16xf32>, vector<16xf32>, vector<16xf32>, vector<16xf32>)  : i32 {
          %parallel_loop3A_315 = arith.index_cast %parallel_loop3A_298 : i32 to index
          %parallel_loop3A_316 = arith.constant 0 : index
          %parallel_loop3A_317 = tpu.vector_load %arg7[%parallel_loop3A_315, %parallel_loop3A_316] {strides = array<i32>} : memref<512x128xf32, #tpu.memory_space<vmem>>, vector<1x16xf32>,
          %parallel_loop3A_318 = vector.shape_cast %parallel_loop3A_317 : vector<1x16xf32> to vector<16xf32>
          %parallel_loop3A_319 = arith.index_cast %parallel_loop3A_298 : i32 to index
          %parallel_loop3A_320 = arith.constant 16 : index
          %parallel_loop3A_321 = tpu.vector_load %arg7[%parallel_loop3A_319, %parallel_loop3A_320] {strides = array<i32>} : memref<512x128xf32, #tpu.memory_space<vmem>>, vector<1x16xf32>,
          %parallel_loop3A_322 = vector.shape_cast %parallel_loop3A_321 : vector<1x16xf32> to vector<16xf32>
          %parallel_loop3A_323 = arith.index_cast %parallel_loop3A_298 : i32 to index
          %parallel_loop3A_324 = arith.constant 32 : index
          %parallel_loop3A_325 = tpu.vector_load %arg7[%parallel_loop3A_323, %parallel_loop3A_324] {strides = array<i32>} : memref<512x128xf32, #tpu.memory_space<vmem>>, vector<1x16xf32>,
          %parallel_loop3A_326 = vector.shape_cast %parallel_loop3A_325 : vector<1x16xf32> to vector<16xf32>
          %parallel_loop3A_327 = arith.index_cast %parallel_loop3A_298 : i32 to index
          %parallel_loop3A_328 = arith.constant 48 : index
          %parallel_loop3A_329 = tpu.vector_load %arg7[%parallel_loop3A_327, %parallel_loop3A_328] {strides = array<i32>} : memref<512x128xf32, #tpu.memory_space<vmem>>, vector<1x16xf32>,
          %parallel_loop3A_330 = vector.shape_cast %parallel_loop3A_329 : vector<1x16xf32> to vector<16xf32>
          %parallel_loop3A_331 = arith.index_cast %parallel_loop3A_298 : i32 to index
          %parallel_loop3A_332 = arith.constant 64 : index
          %parallel_loop3A_333 = tpu.vector_load %arg7[%parallel_loop3A_331, %parallel_loop3A_332] {strides = array<i32>} : memref<512x128xf32, #tpu.memory_space<vmem>>, vector<1x16xf32>,
          %parallel_loop3A_334 = vector.shape_cast %parallel_loop3A_333 : vector<1x16xf32> to vector<16xf32>
          %parallel_loop3A_335 = arith.index_cast %parallel_loop3A_298 : i32 to index
          %parallel_loop3A_336 = arith.constant 80 : index
          %parallel_loop3A_337 = tpu.vector_load %arg7[%parallel_loop3A_335, %parallel_loop3A_336] {strides = array<i32>} : memref<512x128xf32, #tpu.memory_space<vmem>>, vector<1x16xf32>,
          %parallel_loop3A_338 = vector.shape_cast %parallel_loop3A_337 : vector<1x16xf32> to vector<16xf32>
          %parallel_loop3A_339 = arith.index_cast %parallel_loop3A_298 : i32 to index
          %parallel_loop3A_340 = arith.constant 96 : index
          %parallel_loop3A_341 = tpu.vector_load %arg7[%parallel_loop3A_339, %parallel_loop3A_340] {strides = array<i32>} : memref<512x128xf32, #tpu.memory_space<vmem>>, vector<1x16xf32>,
          %parallel_loop3A_342 = vector.shape_cast %parallel_loop3A_341 : vector<1x16xf32> to vector<16xf32>
          %parallel_loop3A_343 = arith.index_cast %parallel_loop3A_298 : i32 to index
          %parallel_loop3A_344 = arith.constant 112 : index
          %parallel_loop3A_345 = tpu.vector_load %arg7[%parallel_loop3A_343, %parallel_loop3A_344] {strides = array<i32>} : memref<512x128xf32, #tpu.memory_space<vmem>>, vector<1x16xf32>,
          %parallel_loop3A_346 = vector.shape_cast %parallel_loop3A_345 : vector<1x16xf32> to vector<16xf32>
          %parallel_loop3A_347 = arith.addf %parallel_loop3A_299, %parallel_loop3A_318 : vector<16xf32>
          %parallel_loop3A_348 = arith.addf %parallel_loop3A_300, %parallel_loop3A_322 : vector<16xf32>
          %parallel_loop3A_349 = arith.addf %parallel_loop3A_301, %parallel_loop3A_326 : vector<16xf32>
          %parallel_loop3A_350 = arith.addf %parallel_loop3A_302, %parallel_loop3A_330 : vector<16xf32>
          %parallel_loop3A_351 = arith.addf %parallel_loop3A_303, %parallel_loop3A_334 : vector<16xf32>
          %parallel_loop3A_352 = arith.addf %parallel_loop3A_304, %parallel_loop3A_338 : vector<16xf32>
          %parallel_loop3A_353 = arith.addf %parallel_loop3A_305, %parallel_loop3A_342 : vector<16xf32>
          %parallel_loop3A_354 = arith.addf %parallel_loop3A_306, %parallel_loop3A_346 : vector<16xf32>
          %parallel_loop3A_355 = arith.maximumf %parallel_loop3A_307, %parallel_loop3A_318 : vector<16xf32>
          %parallel_loop3A_356 = arith.maximumf %parallel_loop3A_308, %parallel_loop3A_322 : vector<16xf32>
          %parallel_loop3A_357 = arith.maximumf %parallel_loop3A_309, %parallel_loop3A_326 : vector<16xf32>
          %parallel_loop3A_358 = arith.maximumf %parallel_loop3A_310, %parallel_loop3A_330 : vector<16xf32>
          %parallel_loop3A_359 = arith.maximumf %parallel_loop3A_311, %parallel_loop3A_334 : vector<16xf32>
          %parallel_loop3A_360 = arith.maximumf %parallel_loop3A_312, %parallel_loop3A_338 : vector<16xf32>
          %parallel_loop3A_361 = arith.maximumf %parallel_loop3A_313, %parallel_loop3A_342 : vector<16xf32>
          %parallel_loop3A_362 = arith.maximumf %parallel_loop3A_314, %parallel_loop3A_346 : vector<16xf32>
          scf.yield %parallel_loop3A_347, %parallel_loop3A_348, %parallel_loop3A_349, %parallel_loop3A_350, %parallel_loop3A_351, %parallel_loop3A_352, %parallel_loop3A_353, %parallel_loop3A_354, %parallel_loop3A_355, %parallel_loop3A_356, %parallel_loop3A_357, %parallel_loop3A_358, %parallel_loop3A_359, %parallel_loop3A_360, %parallel_loop3A_361, %parallel_loop3A_362 : vector<16xf32>, vector<16xf32>, vector<16xf32>, vector<16xf32>, vector<16xf32>, vector<16xf32>, vector<16xf32>, vector<16xf32>, vector<16xf32>, vector<16xf32>, vector<16xf32>, vector<16xf32>, vector<16xf32>, vector<16xf32>, vector<16xf32>, vector<16xf32>
        } {sc.loop_unroll_factor = 8 : i64, sc.parallel_access}
        %swap3A = arith.index_cast %add3A_137 : i32 to index
        %swap3A_219 = arith.constant 0 : index
        %swap3A_220 = tpu.vector_load %arg9[%swap3A, %swap3A_219] {strides = array<i32>} : memref<64x128xf32, #tpu.memory_space<vmem>>, vector<1x16xf32>,
        %swap3A_221 = vector.shape_cast %swap3A_220 : vector<1x16xf32> to vector<16xf32>
        %swap3A_222 = vector.shape_cast %parallel_loop3A_218#0 : vector<16xf32> to vector<1x16xf32>
        tpu.vector_store %arg9[%swap3A, %swap3A_219], %swap3A_222 {strides = array<i32>} : memref<64x128xf32, #tpu.memory_space<vmem>>, vector<1x16xf32>,
        %swap3A_223 = arith.index_cast %add3A_137 : i32 to index
        %swap3A_224 = arith.constant 0 : index
        %swap3A_225 = tpu.vector_load %arg10[%swap3A_223, %swap3A_224] {strides = array<i32>} : memref<64x128xf32, #tpu.memory_space<vmem>>, vector<1x16xf32>,
        %swap3A_226 = vector.shape_cast %swap3A_225 : vector<1x16xf32> to vector<16xf32>
        %swap3A_227 = vector.shape_cast %parallel_loop3A_218#8 : vector<16xf32> to vector<1x16xf32>
        tpu.vector_store %arg10[%swap3A_223, %swap3A_224], %swap3A_227 {strides = array<i32>} : memref<64x128xf32, #tpu.memory_space<vmem>>, vector<1x16xf32>,
        %swap3A_228 = arith.index_cast %add3A_137 : i32 to index
        %swap3A_229 = arith.constant 16 : index
        %swap3A_230 = tpu.vector_load %arg9[%swap3A_228, %swap3A_229] {strides = array<i32>} : memref<64x128xf32, #tpu.memory_space<vmem>>, vector<1x16xf32>,
        %swap3A_231 = vector.shape_cast %swap3A_230 : vector<1x16xf32> to vector<16xf32>
        %swap3A_232 = vector.shape_cast %parallel_loop3A_218#1 : vector<16xf32> to vector<1x16xf32>
        tpu.vector_store %arg9[%swap3A_228, %swap3A_229], %swap3A_232 {strides = array<i32>} : memref<64x128xf32, #tpu.memory_space<vmem>>, vector<1x16xf32>,
        %swap3A_233 = arith.index_cast %add3A_137 : i32 to index
        %swap3A_234 = arith.constant 16 : index
        %swap3A_235 = tpu.vector_load %arg10[%swap3A_233, %swap3A_234] {strides = array<i32>} : memref<64x128xf32, #tpu.memory_space<vmem>>, vector<1x16xf32>,
        %swap3A_236 = vector.shape_cast %swap3A_235 : vector<1x16xf32> to vector<16xf32>
        %swap3A_237 = vector.shape_cast %parallel_loop3A_218#9 : vector<16xf32> to vector<1x16xf32>
        tpu.vector_store %arg10[%swap3A_233, %swap3A_234], %swap3A_237 {strides = array<i32>} : memref<64x128xf32, #tpu.memory_space<vmem>>, vector<1x16xf32>,
        %swap3A_238 = arith.index_cast %add3A_137 : i32 to index
        %swap3A_239 = arith.constant 32 : index
        %swap3A_240 = tpu.vector_load %arg9[%swap3A_238, %swap3A_239] {strides = array<i32>} : memref<64x128xf32, #tpu.memory_space<vmem>>, vector<1x16xf32>,
        %swap3A_241 = vector.shape_cast %swap3A_240 : vector<1x16xf32> to vector<16xf32>
        %swap3A_242 = vector.shape_cast %parallel_loop3A_218#2 : vector<16xf32> to vector<1x16xf32>
        tpu.vector_store %arg9[%swap3A_238, %swap3A_239], %swap3A_242 {strides = array<i32>} : memref<64x128xf32, #tpu.memory_space<vmem>>, vector<1x16xf32>,
        %swap3A_243 = arith.index_cast %add3A_137 : i32 to index
        %swap3A_244 = arith.constant 32 : index
        %swap3A_245 = tpu.vector_load %arg10[%swap3A_243, %swap3A_244] {strides = array<i32>} : memref<64x128xf32, #tpu.memory_space<vmem>>, vector<1x16xf32>,
        %swap3A_246 = vector.shape_cast %swap3A_245 : vector<1x16xf32> to vector<16xf32>
        %swap3A_247 = vector.shape_cast %parallel_loop3A_218#10 : vector<16xf32> to vector<1x16xf32>
        tpu.vector_store %arg10[%swap3A_243, %swap3A_244], %swap3A_247 {strides = array<i32>} : memref<64x128xf32, #tpu.memory_space<vmem>>, vector<1x16xf32>,
        %swap3A_248 = arith.index_cast %add3A_137 : i32 to index
        %swap3A_249 = arith.constant 48 : index
        %swap3A_250 = tpu.vector_load %arg9[%swap3A_248, %swap3A_249] {strides = array<i32>} : memref<64x128xf32, #tpu.memory_space<vmem>>, vector<1x16xf32>,
        %swap3A_251 = vector.shape_cast %swap3A_250 : vector<1x16xf32> to vector<16xf32>
        %swap3A_252 = vector.shape_cast %parallel_loop3A_218#3 : vector<16xf32> to vector<1x16xf32>
        tpu.vector_store %arg9[%swap3A_248, %swap3A_249], %swap3A_252 {strides = array<i32>} : memref<64x128xf32, #tpu.memory_space<vmem>>, vector<1x16xf32>,
        %swap3A_253 = arith.index_cast %add3A_137 : i32 to index
        %swap3A_254 = arith.constant 48 : index
        %swap3A_255 = tpu.vector_load %arg10[%swap3A_253, %swap3A_254] {strides = array<i32>} : memref<64x128xf32, #tpu.memory_space<vmem>>, vector<1x16xf32>,
        %swap3A_256 = vector.shape_cast %swap3A_255 : vector<1x16xf32> to vector<16xf32>
        %swap3A_257 = vector.shape_cast %parallel_loop3A_218#11 : vector<16xf32> to vector<1x16xf32>
        tpu.vector_store %arg10[%swap3A_253, %swap3A_254], %swap3A_257 {strides = array<i32>} : memref<64x128xf32, #tpu.memory_space<vmem>>, vector<1x16xf32>,
        %swap3A_258 = arith.index_cast %add3A_137 : i32 to index
        %swap3A_259 = arith.constant 64 : index
        %swap3A_260 = tpu.vector_load %arg9[%swap3A_258, %swap3A_259] {strides = array<i32>} : memref<64x128xf32, #tpu.memory_space<vmem>>, vector<1x16xf32>,
        %swap3A_261 = vector.shape_cast %swap3A_260 : vector<1x16xf32> to vector<16xf32>
        %swap3A_262 = vector.shape_cast %parallel_loop3A_218#4 : vector<16xf32> to vector<1x16xf32>
        tpu.vector_store %arg9[%swap3A_258, %swap3A_259], %swap3A_262 {strides = array<i32>} : memref<64x128xf32, #tpu.memory_space<vmem>>, vector<1x16xf32>,
        %swap3A_263 = arith.index_cast %add3A_137 : i32 to index
        %swap3A_264 = arith.constant 64 : index
        %swap3A_265 = tpu.vector_load %arg10[%swap3A_263, %swap3A_264] {strides = array<i32>} : memref<64x128xf32, #tpu.memory_space<vmem>>, vector<1x16xf32>,
        %swap3A_266 = vector.shape_cast %swap3A_265 : vector<1x16xf32> to vector<16xf32>
        %swap3A_267 = vector.shape_cast %parallel_loop3A_218#12 : vector<16xf32> to vector<1x16xf32>
        tpu.vector_store %arg10[%swap3A_263, %swap3A_264], %swap3A_267 {strides = array<i32>} : memref<64x128xf32, #tpu.memory_space<vmem>>, vector<1x16xf32>,
        %swap3A_268 = arith.index_cast %add3A_137 : i32 to index
        %swap3A_269 = arith.constant 80 : index
        %swap3A_270 = tpu.vector_load %arg9[%swap3A_268, %swap3A_269] {strides = array<i32>} : memref<64x128xf32, #tpu.memory_space<vmem>>, vector<1x16xf32>,
        %swap3A_271 = vector.shape_cast %swap3A_270 : vector<1x16xf32> to vector<16xf32>
        %swap3A_272 = vector.shape_cast %parallel_loop3A_218#5 : vector<16xf32> to vector<1x16xf32>
        tpu.vector_store %arg9[%swap3A_268, %swap3A_269], %swap3A_272 {strides = array<i32>} : memref<64x128xf32, #tpu.memory_space<vmem>>, vector<1x16xf32>,
        %swap3A_273 = arith.index_cast %add3A_137 : i32 to index
        %swap3A_274 = arith.constant 80 : index
        %swap3A_275 = tpu.vector_load %arg10[%swap3A_273, %swap3A_274] {strides = array<i32>} : memref<64x128xf32, #tpu.memory_space<vmem>>, vector<1x16xf32>,
        %swap3A_276 = vector.shape_cast %swap3A_275 : vector<1x16xf32> to vector<16xf32>
        %swap3A_277 = vector.shape_cast %parallel_loop3A_218#13 : vector<16xf32> to vector<1x16xf32>
        tpu.vector_store %arg10[%swap3A_273, %swap3A_274], %swap3A_277 {strides = array<i32>} : memref<64x128xf32, #tpu.memory_space<vmem>>, vector<1x16xf32>,
        %swap3A_278 = arith.index_cast %add3A_137 : i32 to index
        %swap3A_279 = arith.constant 96 : index
        %swap3A_280 = tpu.vector_load %arg9[%swap3A_278, %swap3A_279] {strides = array<i32>} : memref<64x128xf32, #tpu.memory_space<vmem>>, vector<1x16xf32>,
        %swap3A_281 = vector.shape_cast %swap3A_280 : vector<1x16xf32> to vector<16xf32>
        %swap3A_282 = vector.shape_cast %parallel_loop3A_218#6 : vector<16xf32> to vector<1x16xf32>
        tpu.vector_store %arg9[%swap3A_278, %swap3A_279], %swap3A_282 {strides = array<i32>} : memref<64x128xf32, #tpu.memory_space<vmem>>, vector<1x16xf32>,
        %swap3A_283 = arith.index_cast %add3A_137 : i32 to index
        %swap3A_284 = arith.constant 96 : index
        %swap3A_285 = tpu.vector_load %arg10[%swap3A_283, %swap3A_284] {strides = array<i32>} : memref<64x128xf32, #tpu.memory_space<vmem>>, vector<1x16xf32>,
        %swap3A_286 = vector.shape_cast %swap3A_285 : vector<1x16xf32> to vector<16xf32>
        %swap3A_287 = vector.shape_cast %parallel_loop3A_218#14 : vector<16xf32> to vector<1x16xf32>
        tpu.vector_store %arg10[%swap3A_283, %swap3A_284], %swap3A_287 {strides = array<i32>} : memref<64x128xf32, #tpu.memory_space<vmem>>, vector<1x16xf32>,
        %swap3A_288 = arith.index_cast %add3A_137 : i32 to index
        %swap3A_289 = arith.constant 112 : index
        %swap3A_290 = tpu.vector_load %arg9[%swap3A_288, %swap3A_289] {strides = array<i32>} : memref<64x128xf32, #tpu.memory_space<vmem>>, vector<1x16xf32>,
        %swap3A_291 = vector.shape_cast %swap3A_290 : vector<1x16xf32> to vector<16xf32>
        %swap3A_292 = vector.shape_cast %parallel_loop3A_218#7 : vector<16xf32> to vector<1x16xf32>
        tpu.vector_store %arg9[%swap3A_288, %swap3A_289], %swap3A_292 {strides = array<i32>} : memref<64x128xf32, #tpu.memory_space<vmem>>, vector<1x16xf32>,
        %swap3A_293 = arith.index_cast %add3A_137 : i32 to index
        %swap3A_294 = arith.constant 112 : index
        %swap3A_295 = tpu.vector_load %arg10[%swap3A_293, %swap3A_294] {strides = array<i32>} : memref<64x128xf32, #tpu.memory_space<vmem>>, vector<1x16xf32>,
        %swap3A_296 = vector.shape_cast %swap3A_295 : vector<1x16xf32> to vector<16xf32>
        %swap3A_297 = vector.shape_cast %parallel_loop3A_218#15 : vector<16xf32> to vector<1x16xf32>
        tpu.vector_store %arg10[%swap3A_293, %swap3A_294], %swap3A_297 {strides = array<i32>} : memref<64x128xf32, #tpu.memory_space<vmem>>, vector<1x16xf32>,
      }
      %while3A_133 = arith.constant 1 : i32
      scf.for %while3A_135 = %while3A_131 to %while3A_127 step %while3A_133  : i32 {
        %mul3A_136 = arith.muli %while3A_135, %while3A_124 : i32
        %add3A_137 = arith.addi %while3A_88, %mul3A_136 : i32
        %get3A_138 = arith.index_cast %add3A_137 : i32 to index
        %get3A_139 = tpu.vector_load %arg11[%get3A_138] {strides = array<i32>} : memref<96xi32, #tpu.memory_space<vmem>>, vector<16xi32>,
        %get3A_140 = vector.shape_cast %get3A_139 : vector<16xi32> to vector<16xi32>
        %slice3A_141 = vector.extract_strided_slice %get3A_140 {offsets = [0], sizes = [1], strides = [1]} : vector<16xi32> to vector<1xi32>
        %squeeze3A_142 = vector.extract %slice3A_141[0] : i32 from vector<1xi32>
        %sub3A_143 = arith.subi %squeeze3A_142, %min3A_94 : i32
        %max3A_144 = arith.maxsi %sub3A_143, %sub3A_95 : i32
        %add3A_145 = arith.constant 1 : i32
        %add3A_146 = arith.addi %add3A_137, %add3A_145 : i32
        %get3A_147 = arith.index_cast %add3A_146 : i32 to index
        %get3A_148 = tpu.vector_load %arg11[%get3A_147] {strides = array<i32>} : memref<96xi32, #tpu.memory_space<vmem>>, vector<16xi32>,
        %get3A_149 = vector.shape_cast %get3A_148 : vector<16xi32> to vector<16xi32>
        %slice3A_150 = vector.extract_strided_slice %get3A_149 {offsets = [0], sizes = [1], strides = [1]} : vector<16xi32> to vector<1xi32>
        %squeeze3A_151 = vector.extract %slice3A_150[0] : i32 from vector<1xi32>
        %sub3A_152 = arith.subi %squeeze3A_151, %min3A_94 : i32
        %min3A_153 = arith.minsi %sub3A_152, %sub3A_99 : i32
        %get3A_154 = arith.index_cast %add3A_137 : i32 to index
        %get3A_155 = arith.constant 0 : index
        %get3A_156 = tpu.vector_load %arg9[%get3A_154, %get3A_155] {strides = array<i32>} : memref<64x128xf32, #tpu.memory_space<vmem>>, vector<1x16xf32>,
        %get3A_157 = vector.shape_cast %get3A_156 : vector<1x16xf32> to vector<16xf32>
        %get3A_158 = arith.index_cast %add3A_137 : i32 to index
        %get3A_159 = arith.constant 16 : index
        %get3A_160 = tpu.vector_load %arg9[%get3A_158, %get3A_159] {strides = array<i32>} : memref<64x128xf32, #tpu.memory_space<vmem>>, vector<1x16xf32>,
        %get3A_161 = vector.shape_cast %get3A_160 : vector<1x16xf32> to vector<16xf32>
        %get3A_162 = arith.index_cast %add3A_137 : i32 to index
        %get3A_163 = arith.constant 32 : index
        %get3A_164 = tpu.vector_load %arg9[%get3A_162, %get3A_163] {strides = array<i32>} : memref<64x128xf32, #tpu.memory_space<vmem>>, vector<1x16xf32>,
        %get3A_165 = vector.shape_cast %get3A_164 : vector<1x16xf32> to vector<16xf32>
        %get3A_166 = arith.index_cast %add3A_137 : i32 to index
        %get3A_167 = arith.constant 48 : index
        %get3A_168 = tpu.vector_load %arg9[%get3A_166, %get3A_167] {strides = array<i32>} : memref<64x128xf32, #tpu.memory_space<vmem>>, vector<1x16xf32>,
        %get3A_169 = vector.shape_cast %get3A_168 : vector<1x16xf32> to vector<16xf32>
        %get3A_170 = arith.index_cast %add3A_137 : i32 to index
        %get3A_171 = arith.constant 64 : index
        %get3A_172 = tpu.vector_load %arg9[%get3A_170, %get3A_171] {strides = array<i32>} : memref<64x128xf32, #tpu.memory_space<vmem>>, vector<1x16xf32>,
        %get3A_173 = vector.shape_cast %get3A_172 : vector<1x16xf32> to vector<16xf32>
        %get3A_174 = arith.index_cast %add3A_137 : i32 to index
        %get3A_175 = arith.constant 80 : index
        %get3A_176 = tpu.vector_load %arg9[%get3A_174, %get3A_175] {strides = array<i32>} : memref<64x128xf32, #tpu.memory_space<vmem>>, vector<1x16xf32>,
        %get3A_177 = vector.shape_cast %get3A_176 : vector<1x16xf32> to vector<16xf32>
        %get3A_178 = arith.index_cast %add3A_137 : i32 to index
        %get3A_179 = arith.constant 96 : index
        %get3A_180 = tpu.vector_load %arg9[%get3A_178, %get3A_179] {strides = array<i32>} : memref<64x128xf32, #tpu.memory_space<vmem>>, vector<1x16xf32>,
        %get3A_181 = vector.shape_cast %get3A_180 : vector<1x16xf32> to vector<16xf32>
        %get3A_182 = arith.index_cast %add3A_137 : i32 to index
        %get3A_183 = arith.constant 112 : index
        %get3A_184 = tpu.vector_load %arg9[%get3A_182, %get3A_183] {strides = array<i32>} : memref<64x128xf32, #tpu.memory_space<vmem>>, vector<1x16xf32>,
        %get3A_185 = vector.shape_cast %get3A_184 : vector<1x16xf32> to vector<16xf32>
        %get3A_186 = arith.index_cast %add3A_137 : i32 to index
        %get3A_187 = arith.constant 0 : index
        %get3A_188 = tpu.vector_load %arg10[%get3A_186, %get3A_187] {strides = array<i32>} : memref<64x128xf32, #tpu.memory_space<vmem>>, vector<1x16xf32>,
        %get3A_189 = vector.shape_cast %get3A_188 : vector<1x16xf32> to vector<16xf32>
        %get3A_190 = arith.index_cast %add3A_137 : i32 to index
        %get3A_191 = arith.constant 16 : index
        %get3A_192 = tpu.vector_load %arg10[%get3A_190, %get3A_191] {strides = array<i32>} : memref<64x128xf32, #tpu.memory_space<vmem>>, vector<1x16xf32>,
        %get3A_193 = vector.shape_cast %get3A_192 : vector<1x16xf32> to vector<16xf32>
        %get3A_194 = arith.index_cast %add3A_137 : i32 to index
        %get3A_195 = arith.constant 32 : index
        %get3A_196 = tpu.vector_load %arg10[%get3A_194, %get3A_195] {strides = array<i32>} : memref<64x128xf32, #tpu.memory_space<vmem>>, vector<1x16xf32>,
        %get3A_197 = vector.shape_cast %get3A_196 : vector<1x16xf32> to vector<16xf32>
        %get3A_198 = arith.index_cast %add3A_137 : i32 to index
        %get3A_199 = arith.constant 48 : index
        %get3A_200 = tpu.vector_load %arg10[%get3A_198, %get3A_199] {strides = array<i32>} : memref<64x128xf32, #tpu.memory_space<vmem>>, vector<1x16xf32>,
        %get3A_201 = vector.shape_cast %get3A_200 : vector<1x16xf32> to vector<16xf32>
        %get3A_202 = arith.index_cast %add3A_137 : i32 to index
        %get3A_203 = arith.constant 64 : index
        %get3A_204 = tpu.vector_load %arg10[%get3A_202, %get3A_203] {strides = array<i32>} : memref<64x128xf32, #tpu.memory_space<vmem>>, vector<1x16xf32>,
        %get3A_205 = vector.shape_cast %get3A_204 : vector<1x16xf32> to vector<16xf32>
        %get3A_206 = arith.index_cast %add3A_137 : i32 to index
        %get3A_207 = arith.constant 80 : index
        %get3A_208 = tpu.vector_load %arg10[%get3A_206, %get3A_207] {strides = array<i32>} : memref<64x128xf32, #tpu.memory_space<vmem>>, vector<1x16xf32>,
        %get3A_209 = vector.shape_cast %get3A_208 : vector<1x16xf32> to vector<16xf32>
        %get3A_210 = arith.index_cast %add3A_137 : i32 to index
        %get3A_211 = arith.constant 96 : index
        %get3A_212 = tpu.vector_load %arg10[%get3A_210, %get3A_211] {strides = array<i32>} : memref<64x128xf32, #tpu.memory_space<vmem>>, vector<1x16xf32>,
        %get3A_213 = vector.shape_cast %get3A_212 : vector<1x16xf32> to vector<16xf32>
        %get3A_214 = arith.index_cast %add3A_137 : i32 to index
        %get3A_215 = arith.constant 112 : index
        %get3A_216 = tpu.vector_load %arg10[%get3A_214, %get3A_215] {strides = array<i32>} : memref<64x128xf32, #tpu.memory_space<vmem>>, vector<1x16xf32>,
        %get3A_217 = vector.shape_cast %get3A_216 : vector<1x16xf32> to vector<16xf32>
        %parallel_loop3A = arith.constant 1 : i32
        %parallel_loop3A_218:16 = scf.for %parallel_loop3A_298 = %max3A_144 to %min3A_153 step %parallel_loop3A iter_args(%parallel_loop3A_299 = %get3A_157, %parallel_loop3A_300 = %get3A_161, %parallel_loop3A_301 = %get3A_165, %parallel_loop3A_302 = %get3A_169, %parallel_loop3A_303 = %get3A_173, %parallel_loop3A_304 = %get3A_177, %parallel_loop3A_305 = %get3A_181, %parallel_loop3A_306 = %get3A_185, %parallel_loop3A_307 = %get3A_189, %parallel_loop3A_308 = %get3A_193, %parallel_loop3A_309 = %get3A_197, %parallel_loop3A_310 = %get3A_201, %parallel_loop3A_311 = %get3A_205, %parallel_loop3A_312 = %get3A_209, %parallel_loop3A_313 = %get3A_213, %parallel_loop3A_314 = %get3A_217) -> (vector<16xf32>, vector<16xf32>, vector<16xf32>, vector<16xf32>, vector<16xf32>, vector<16xf32>, vector<16xf32>, vector<16xf32>, vector<16xf32>, vector<16xf32>, vector<16xf32>, vector<16xf32>, vector<16xf32>, vector<16xf32>, vector<16xf32>, vector<16xf32>)  : i32 {
          %parallel_loop3A_315 = arith.index_cast %parallel_loop3A_298 : i32 to index
          %parallel_loop3A_316 = arith.constant 0 : index
          %parallel_loop3A_317 = tpu.vector_load %arg7[%parallel_loop3A_315, %parallel_loop3A_316] {strides = array<i32>} : memref<512x128xf32, #tpu.memory_space<vmem>>, vector<1x16xf32>,
          %parallel_loop3A_318 = vector.shape_cast %parallel_loop3A_317 : vector<1x16xf32> to vector<16xf32>
          %parallel_loop3A_319 = arith.index_cast %parallel_loop3A_298 : i32 to index
          %parallel_loop3A_320 = arith.constant 16 : index
          %parallel_loop3A_321 = tpu.vector_load %arg7[%parallel_loop3A_319, %parallel_loop3A_320] {strides = array<i32>} : memref<512x128xf32, #tpu.memory_space<vmem>>, vector<1x16xf32>,
          %parallel_loop3A_322 = vector.shape_cast %parallel_loop3A_321 : vector<1x16xf32> to vector<16xf32>
          %parallel_loop3A_323 = arith.index_cast %parallel_loop3A_298 : i32 to index
          %parallel_loop3A_324 = arith.constant 32 : index
          %parallel_loop3A_325 = tpu.vector_load %arg7[%parallel_loop3A_323, %parallel_loop3A_324] {strides = array<i32>} : memref<512x128xf32, #tpu.memory_space<vmem>>, vector<1x16xf32>,
          %parallel_loop3A_326 = vector.shape_cast %parallel_loop3A_325 : vector<1x16xf32> to vector<16xf32>
          %parallel_loop3A_327 = arith.index_cast %parallel_loop3A_298 : i32 to index
          %parallel_loop3A_328 = arith.constant 48 : index
          %parallel_loop3A_329 = tpu.vector_load %arg7[%parallel_loop3A_327, %parallel_loop3A_328] {strides = array<i32>} : memref<512x128xf32, #tpu.memory_space<vmem>>, vector<1x16xf32>,
          %parallel_loop3A_330 = vector.shape_cast %parallel_loop3A_329 : vector<1x16xf32> to vector<16xf32>
          %parallel_loop3A_331 = arith.index_cast %parallel_loop3A_298 : i32 to index
          %parallel_loop3A_332 = arith.constant 64 : index
          %parallel_loop3A_333 = tpu.vector_load %arg7[%parallel_loop3A_331, %parallel_loop3A_332] {strides = array<i32>} : memref<512x128xf32, #tpu.memory_space<vmem>>, vector<1x16xf32>,
          %parallel_loop3A_334 = vector.shape_cast %parallel_loop3A_333 : vector<1x16xf32> to vector<16xf32>
          %parallel_loop3A_335 = arith.index_cast %parallel_loop3A_298 : i32 to index
          %parallel_loop3A_336 = arith.constant 80 : index
          %parallel_loop3A_337 = tpu.vector_load %arg7[%parallel_loop3A_335, %parallel_loop3A_336] {strides = array<i32>} : memref<512x128xf32, #tpu.memory_space<vmem>>, vector<1x16xf32>,
          %parallel_loop3A_338 = vector.shape_cast %parallel_loop3A_337 : vector<1x16xf32> to vector<16xf32>
          %parallel_loop3A_339 = arith.index_cast %parallel_loop3A_298 : i32 to index
          %parallel_loop3A_340 = arith.constant 96 : index
          %parallel_loop3A_341 = tpu.vector_load %arg7[%parallel_loop3A_339, %parallel_loop3A_340] {strides = array<i32>} : memref<512x128xf32, #tpu.memory_space<vmem>>, vector<1x16xf32>,
          %parallel_loop3A_342 = vector.shape_cast %parallel_loop3A_341 : vector<1x16xf32> to vector<16xf32>
          %parallel_loop3A_343 = arith.index_cast %parallel_loop3A_298 : i32 to index
          %parallel_loop3A_344 = arith.constant 112 : index
          %parallel_loop3A_345 = tpu.vector_load %arg7[%parallel_loop3A_343, %parallel_loop3A_344] {strides = array<i32>} : memref<512x128xf32, #tpu.memory_space<vmem>>, vector<1x16xf32>,
          %parallel_loop3A_346 = vector.shape_cast %parallel_loop3A_345 : vector<1x16xf32> to vector<16xf32>
          %parallel_loop3A_347 = arith.addf %parallel_loop3A_299, %parallel_loop3A_318 : vector<16xf32>
          %parallel_loop3A_348 = arith.addf %parallel_loop3A_300, %parallel_loop3A_322 : vector<16xf32>
          %parallel_loop3A_349 = arith.addf %parallel_loop3A_301, %parallel_loop3A_326 : vector<16xf32>
          %parallel_loop3A_350 = arith.addf %parallel_loop3A_302, %parallel_loop3A_330 : vector<16xf32>
          %parallel_loop3A_351 = arith.addf %parallel_loop3A_303, %parallel_loop3A_334 : vector<16xf32>
          %parallel_loop3A_352 = arith.addf %parallel_loop3A_304, %parallel_loop3A_338 : vector<16xf32>
          %parallel_loop3A_353 = arith.addf %parallel_loop3A_305, %parallel_loop3A_342 : vector<16xf32>
          %parallel_loop3A_354 = arith.addf %parallel_loop3A_306, %parallel_loop3A_346 : vector<16xf32>
          %parallel_loop3A_355 = arith.maximumf %parallel_loop3A_307, %parallel_loop3A_318 : vector<16xf32>
          %parallel_loop3A_356 = arith.maximumf %parallel_loop3A_308, %parallel_loop3A_322 : vector<16xf32>
          %parallel_loop3A_357 = arith.maximumf %parallel_loop3A_309, %parallel_loop3A_326 : vector<16xf32>
          %parallel_loop3A_358 = arith.maximumf %parallel_loop3A_310, %parallel_loop3A_330 : vector<16xf32>
          %parallel_loop3A_359 = arith.maximumf %parallel_loop3A_311, %parallel_loop3A_334 : vector<16xf32>
          %parallel_loop3A_360 = arith.maximumf %parallel_loop3A_312, %parallel_loop3A_338 : vector<16xf32>
          %parallel_loop3A_361 = arith.maximumf %parallel_loop3A_313, %parallel_loop3A_342 : vector<16xf32>
          %parallel_loop3A_362 = arith.maximumf %parallel_loop3A_314, %parallel_loop3A_346 : vector<16xf32>
          scf.yield %parallel_loop3A_347, %parallel_loop3A_348, %parallel_loop3A_349, %parallel_loop3A_350, %parallel_loop3A_351, %parallel_loop3A_352, %parallel_loop3A_353, %parallel_loop3A_354, %parallel_loop3A_355, %parallel_loop3A_356, %parallel_loop3A_357, %parallel_loop3A_358, %parallel_loop3A_359, %parallel_loop3A_360, %parallel_loop3A_361, %parallel_loop3A_362 : vector<16xf32>, vector<16xf32>, vector<16xf32>, vector<16xf32>, vector<16xf32>, vector<16xf32>, vector<16xf32>, vector<16xf32>, vector<16xf32>, vector<16xf32>, vector<16xf32>, vector<16xf32>, vector<16xf32>, vector<16xf32>, vector<16xf32>, vector<16xf32>
        } {sc.loop_unroll_factor = 8 : i64, sc.parallel_access}
        %swap3A = arith.index_cast %add3A_137 : i32 to index
        %swap3A_219 = arith.constant 0 : index
        %swap3A_220 = tpu.vector_load %arg9[%swap3A, %swap3A_219] {strides = array<i32>} : memref<64x128xf32, #tpu.memory_space<vmem>>, vector<1x16xf32>,
        %swap3A_221 = vector.shape_cast %swap3A_220 : vector<1x16xf32> to vector<16xf32>
        %swap3A_222 = vector.shape_cast %parallel_loop3A_218#0 : vector<16xf32> to vector<1x16xf32>
        tpu.vector_store %arg9[%swap3A, %swap3A_219], %swap3A_222 {strides = array<i32>} : memref<64x128xf32, #tpu.memory_space<vmem>>, vector<1x16xf32>,
        %swap3A_223 = arith.index_cast %add3A_137 : i32 to index
        %swap3A_224 = arith.constant 0 : index
        %swap3A_225 = tpu.vector_load %arg10[%swap3A_223, %swap3A_224] {strides = array<i32>} : memref<64x128xf32, #tpu.memory_space<vmem>>, vector<1x16xf32>,
        %swap3A_226 = vector.shape_cast %swap3A_225 : vector<1x16xf32> to vector<16xf32>
        %swap3A_227 = vector.shape_cast %parallel_loop3A_218#8 : vector<16xf32> to vector<1x16xf32>
        tpu.vector_store %arg10[%swap3A_223, %swap3A_224], %swap3A_227 {strides = array<i32>} : memref<64x128xf32, #tpu.memory_space<vmem>>, vector<1x16xf32>,
        %swap3A_228 = arith.index_cast %add3A_137 : i32 to index
        %swap3A_229 = arith.constant 16 : index
        %swap3A_230 = tpu.vector_load %arg9[%swap3A_228, %swap3A_229] {strides = array<i32>} : memref<64x128xf32, #tpu.memory_space<vmem>>, vector<1x16xf32>,
        %swap3A_231 = vector.shape_cast %swap3A_230 : vector<1x16xf32> to vector<16xf32>
        %swap3A_232 = vector.shape_cast %parallel_loop3A_218#1 : vector<16xf32> to vector<1x16xf32>
        tpu.vector_store %arg9[%swap3A_228, %swap3A_229], %swap3A_232 {strides = array<i32>} : memref<64x128xf32, #tpu.memory_space<vmem>>, vector<1x16xf32>,
        %swap3A_233 = arith.index_cast %add3A_137 : i32 to index
        %swap3A_234 = arith.constant 16 : index
        %swap3A_235 = tpu.vector_load %arg10[%swap3A_233, %swap3A_234] {strides = array<i32>} : memref<64x128xf32, #tpu.memory_space<vmem>>, vector<1x16xf32>,
        %swap3A_236 = vector.shape_cast %swap3A_235 : vector<1x16xf32> to vector<16xf32>
        %swap3A_237 = vector.shape_cast %parallel_loop3A_218#9 : vector<16xf32> to vector<1x16xf32>
        tpu.vector_store %arg10[%swap3A_233, %swap3A_234], %swap3A_237 {strides = array<i32>} : memref<64x128xf32, #tpu.memory_space<vmem>>, vector<1x16xf32>,
        %swap3A_238 = arith.index_cast %add3A_137 : i32 to index
        %swap3A_239 = arith.constant 32 : index
        %swap3A_240 = tpu.vector_load %arg9[%swap3A_238, %swap3A_239] {strides = array<i32>} : memref<64x128xf32, #tpu.memory_space<vmem>>, vector<1x16xf32>,
        %swap3A_241 = vector.shape_cast %swap3A_240 : vector<1x16xf32> to vector<16xf32>
        %swap3A_242 = vector.shape_cast %parallel_loop3A_218#2 : vector<16xf32> to vector<1x16xf32>
        tpu.vector_store %arg9[%swap3A_238, %swap3A_239], %swap3A_242 {strides = array<i32>} : memref<64x128xf32, #tpu.memory_space<vmem>>, vector<1x16xf32>,
        %swap3A_243 = arith.index_cast %add3A_137 : i32 to index
        %swap3A_244 = arith.constant 32 : index
        %swap3A_245 = tpu.vector_load %arg10[%swap3A_243, %swap3A_244] {strides = array<i32>} : memref<64x128xf32, #tpu.memory_space<vmem>>, vector<1x16xf32>,
        %swap3A_246 = vector.shape_cast %swap3A_245 : vector<1x16xf32> to vector<16xf32>
        %swap3A_247 = vector.shape_cast %parallel_loop3A_218#10 : vector<16xf32> to vector<1x16xf32>
        tpu.vector_store %arg10[%swap3A_243, %swap3A_244], %swap3A_247 {strides = array<i32>} : memref<64x128xf32, #tpu.memory_space<vmem>>, vector<1x16xf32>,
        %swap3A_248 = arith.index_cast %add3A_137 : i32 to index
        %swap3A_249 = arith.constant 48 : index
        %swap3A_250 = tpu.vector_load %arg9[%swap3A_248, %swap3A_249] {strides = array<i32>} : memref<64x128xf32, #tpu.memory_space<vmem>>, vector<1x16xf32>,
        %swap3A_251 = vector.shape_cast %swap3A_250 : vector<1x16xf32> to vector<16xf32>
        %swap3A_252 = vector.shape_cast %parallel_loop3A_218#3 : vector<16xf32> to vector<1x16xf32>
        tpu.vector_store %arg9[%swap3A_248, %swap3A_249], %swap3A_252 {strides = array<i32>} : memref<64x128xf32, #tpu.memory_space<vmem>>, vector<1x16xf32>,
        %swap3A_253 = arith.index_cast %add3A_137 : i32 to index
        %swap3A_254 = arith.constant 48 : index
        %swap3A_255 = tpu.vector_load %arg10[%swap3A_253, %swap3A_254] {strides = array<i32>} : memref<64x128xf32, #tpu.memory_space<vmem>>, vector<1x16xf32>,
        %swap3A_256 = vector.shape_cast %swap3A_255 : vector<1x16xf32> to vector<16xf32>
        %swap3A_257 = vector.shape_cast %parallel_loop3A_218#11 : vector<16xf32> to vector<1x16xf32>
        tpu.vector_store %arg10[%swap3A_253, %swap3A_254], %swap3A_257 {strides = array<i32>} : memref<64x128xf32, #tpu.memory_space<vmem>>, vector<1x16xf32>,
        %swap3A_258 = arith.index_cast %add3A_137 : i32 to index
        %swap3A_259 = arith.constant 64 : index
        %swap3A_260 = tpu.vector_load %arg9[%swap3A_258, %swap3A_259] {strides = array<i32>} : memref<64x128xf32, #tpu.memory_space<vmem>>, vector<1x16xf32>,
        %swap3A_261 = vector.shape_cast %swap3A_260 : vector<1x16xf32> to vector<16xf32>
        %swap3A_262 = vector.shape_cast %parallel_loop3A_218#4 : vector<16xf32> to vector<1x16xf32>
        tpu.vector_store %arg9[%swap3A_258, %swap3A_259], %swap3A_262 {strides = array<i32>} : memref<64x128xf32, #tpu.memory_space<vmem>>, vector<1x16xf32>,
        %swap3A_263 = arith.index_cast %add3A_137 : i32 to index
        %swap3A_264 = arith.constant 64 : index
        %swap3A_265 = tpu.vector_load %arg10[%swap3A_263, %swap3A_264] {strides = array<i32>} : memref<64x128xf32, #tpu.memory_space<vmem>>, vector<1x16xf32>,
        %swap3A_266 = vector.shape_cast %swap3A_265 : vector<1x16xf32> to vector<16xf32>
        %swap3A_267 = vector.shape_cast %parallel_loop3A_218#12 : vector<16xf32> to vector<1x16xf32>
        tpu.vector_store %arg10[%swap3A_263, %swap3A_264], %swap3A_267 {strides = array<i32>} : memref<64x128xf32, #tpu.memory_space<vmem>>, vector<1x16xf32>,
        %swap3A_268 = arith.index_cast %add3A_137 : i32 to index
        %swap3A_269 = arith.constant 80 : index
        %swap3A_270 = tpu.vector_load %arg9[%swap3A_268, %swap3A_269] {strides = array<i32>} : memref<64x128xf32, #tpu.memory_space<vmem>>, vector<1x16xf32>,
        %swap3A_271 = vector.shape_cast %swap3A_270 : vector<1x16xf32> to vector<16xf32>
        %swap3A_272 = vector.shape_cast %parallel_loop3A_218#5 : vector<16xf32> to vector<1x16xf32>
        tpu.vector_store %arg9[%swap3A_268, %swap3A_269], %swap3A_272 {strides = array<i32>} : memref<64x128xf32, #tpu.memory_space<vmem>>, vector<1x16xf32>,
        %swap3A_273 = arith.index_cast %add3A_137 : i32 to index
        %swap3A_274 = arith.constant 80 : index
        %swap3A_275 = tpu.vector_load %arg10[%swap3A_273, %swap3A_274] {strides = array<i32>} : memref<64x128xf32, #tpu.memory_space<vmem>>, vector<1x16xf32>,
        %swap3A_276 = vector.shape_cast %swap3A_275 : vector<1x16xf32> to vector<16xf32>
        %swap3A_277 = vector.shape_cast %parallel_loop3A_218#13 : vector<16xf32> to vector<1x16xf32>
        tpu.vector_store %arg10[%swap3A_273, %swap3A_274], %swap3A_277 {strides = array<i32>} : memref<64x128xf32, #tpu.memory_space<vmem>>, vector<1x16xf32>,
        %swap3A_278 = arith.index_cast %add3A_137 : i32 to index
        %swap3A_279 = arith.constant 96 : index
        %swap3A_280 = tpu.vector_load %arg9[%swap3A_278, %swap3A_279] {strides = array<i32>} : memref<64x128xf32, #tpu.memory_space<vmem>>, vector<1x16xf32>,
        %swap3A_281 = vector.shape_cast %swap3A_280 : vector<1x16xf32> to vector<16xf32>
        %swap3A_282 = vector.shape_cast %parallel_loop3A_218#6 : vector<16xf32> to vector<1x16xf32>
        tpu.vector_store %arg9[%swap3A_278, %swap3A_279], %swap3A_282 {strides = array<i32>} : memref<64x128xf32, #tpu.memory_space<vmem>>, vector<1x16xf32>,
        %swap3A_283 = arith.index_cast %add3A_137 : i32 to index
        %swap3A_284 = arith.constant 96 : index
        %swap3A_285 = tpu.vector_load %arg10[%swap3A_283, %swap3A_284] {strides = array<i32>} : memref<64x128xf32, #tpu.memory_space<vmem>>, vector<1x16xf32>,
        %swap3A_286 = vector.shape_cast %swap3A_285 : vector<1x16xf32> to vector<16xf32>
        %swap3A_287 = vector.shape_cast %parallel_loop3A_218#14 : vector<16xf32> to vector<1x16xf32>
        tpu.vector_store %arg10[%swap3A_283, %swap3A_284], %swap3A_287 {strides = array<i32>} : memref<64x128xf32, #tpu.memory_space<vmem>>, vector<1x16xf32>,
        %swap3A_288 = arith.index_cast %add3A_137 : i32 to index
        %swap3A_289 = arith.constant 112 : index
        %swap3A_290 = tpu.vector_load %arg9[%swap3A_288, %swap3A_289] {strides = array<i32>} : memref<64x128xf32, #tpu.memory_space<vmem>>, vector<1x16xf32>,
        %swap3A_291 = vector.shape_cast %swap3A_290 : vector<1x16xf32> to vector<16xf32>
        %swap3A_292 = vector.shape_cast %parallel_loop3A_218#7 : vector<16xf32> to vector<1x16xf32>
        tpu.vector_store %arg9[%swap3A_288, %swap3A_289], %swap3A_292 {strides = array<i32>} : memref<64x128xf32, #tpu.memory_space<vmem>>, vector<1x16xf32>,
        %swap3A_293 = arith.index_cast %add3A_137 : i32 to index
        %swap3A_294 = arith.constant 112 : index
        %swap3A_295 = tpu.vector_load %arg10[%swap3A_293, %swap3A_294] {strides = array<i32>} : memref<64x128xf32, #tpu.memory_space<vmem>>, vector<1x16xf32>,
        %swap3A_296 = vector.shape_cast %swap3A_295 : vector<1x16xf32> to vector<16xf32>
        %swap3A_297 = vector.shape_cast %parallel_loop3A_218#15 : vector<16xf32> to vector<1x16xf32>
        tpu.vector_store %arg10[%swap3A_293, %swap3A_294], %swap3A_297 {strides = array<i32>} : memref<64x128xf32, #tpu.memory_space<vmem>>, vector<1x16xf32>,
      }
      %max3A_134 = arith.maxsi %min3A_114, %while3A_88 : i32
      scf.yield %max3A_134 : i32
    }
    %while3A_85 = arith.constant 1 : i32
    %while3A_86 = scf.for %while3A_87 = %while3A_82 to %while3A_78 step %while3A_85 iter_args(%while3A_88 = %while3A_84) -> (i32)  : i32 {
      %mul3A_89 = arith.muli %while3A_87, %while3A : i32
      %add3A_90 = arith.addi %while3A_74, %mul3A_89 : i32
      %mul3A_91 = arith.constant 512 : i32
      %mul3A_92 = arith.muli %add3A_90, %mul3A_91 : i32
      %add3A_93 = arith.addi %mul3A_36, %mul3A_92 : i32
      %min3A = arith.constant 319488 : i32
      %min3A_94 = arith.minsi %add3A_93, %min3A : i32
      "tpu.region"() ({
        %run_scoped3A = tpu.sem_alloc : memref<!tpu.dma_semaphore, #tpu.memory_space<semaphore_mem>>
        %dma_start3A = arith.constant 0 : i32
        %dma_start3A_135 = tpu.memref_slice %arg2[%min3A_94, %dma_start3A] : memref<320000x128xf32, #tpu.memory_space<hbm>> -> memref<512x128xf32, #tpu.memory_space<hbm>>
        %dma_start3A_136 = arith.constant 0 : i32
        %dma_start3A_137 = tpu.memref_slice %arg2[%min3A_94, %dma_start3A_136] : memref<320000x128xf32, #tpu.memory_space<hbm>> -> memref<512x128xf32, #tpu.memory_space<hbm>>
        tpu.enqueue_dma source(%dma_start3A_137 : memref<512x128xf32, #tpu.memory_space<hbm>>) target(%arg7 : memref<512x128xf32, #tpu.memory_space<vmem>>) target_semaphore(%run_scoped3A : memref<!tpu.dma_semaphore, #tpu.memory_space<semaphore_mem>>)
        %dma_wait3A = arith.constant 0 : i32
        %dma_wait3A_138 = tpu.memref_slice %arg2[%min3A_94, %dma_wait3A] : memref<320000x128xf32, #tpu.memory_space<hbm>> -> memref<512x128xf32, #tpu.memory_space<hbm>>
        %dma_wait3A_139 = arith.constant 0 : i32
        %dma_wait3A_140 = tpu.memref_slice %arg2[%min3A_94, %dma_wait3A_139] : memref<320000x128xf32, #tpu.memory_space<hbm>> -> memref<512x128xf32, #tpu.memory_space<hbm>>
        tpu.wait_dma2 semaphore(%run_scoped3A : memref<!tpu.dma_semaphore, #tpu.memory_space<semaphore_mem>>) src(%dma_wait3A_140 : memref<512x128xf32, #tpu.memory_space<hbm>>) dst(%arg7 : memref<512x128xf32, #tpu.memory_space<vmem>>)
        tpu.yield
      }) : () -> ()
      "tpu.region"() ({
        %run_scoped3A = tpu.sem_alloc : memref<!tpu.dma_semaphore, #tpu.memory_space<semaphore_mem>>
        %dma_start3A = arith.constant 0 : i32
        %dma_start3A_135 = tpu.memref_slice %arg8[%dma_start3A] : memref<528xi32, #tpu.memory_space<vmem>> -> memref<512xi32, #tpu.memory_space<vmem>>
        %dma_start3A_136 = tpu.memref_slice %arg3[%min3A_94] : memref<320000xi32, #tpu.memory_space<hbm>> -> memref<512xi32, #tpu.memory_space<hbm>>
        %dma_start3A_137 = arith.constant 0 : i32
        %dma_start3A_138 = tpu.memref_slice %arg8[%dma_start3A_137] : memref<528xi32, #tpu.memory_space<vmem>> -> memref<512xi32, #tpu.memory_space<vmem>>
        %dma_start3A_139 = tpu.memref_slice %arg3[%min3A_94] : memref<320000xi32, #tpu.memory_space<hbm>> -> memref<512xi32, #tpu.memory_space<hbm>>
        tpu.enqueue_dma source(%dma_start3A_139 : memref<512xi32, #tpu.memory_space<hbm>>) target(%dma_start3A_138 : memref<512xi32, #tpu.memory_space<vmem>>) target_semaphore(%run_scoped3A : memref<!tpu.dma_semaphore, #tpu.memory_space<semaphore_mem>>)
        %dma_wait3A = arith.constant 0 : i32
        %dma_wait3A_140 = tpu.memref_slice %arg8[%dma_wait3A] : memref<528xi32, #tpu.memory_space<vmem>> -> memref<512xi32, #tpu.memory_space<vmem>>
        %dma_wait3A_141 = tpu.memref_slice %arg3[%min3A_94] : memref<320000xi32, #tpu.memory_space<hbm>> -> memref<512xi32, #tpu.memory_space<hbm>>
        %dma_wait3A_142 = arith.constant 0 : i32
        %dma_wait3A_143 = tpu.memref_slice %arg8[%dma_wait3A_142] : memref<528xi32, #tpu.memory_space<vmem>> -> memref<512xi32, #tpu.memory_space<vmem>>
        %dma_wait3A_144 = tpu.memref_slice %arg3[%min3A_94] : memref<320000xi32, #tpu.memory_space<hbm>> -> memref<512xi32, #tpu.memory_space<hbm>>
        tpu.wait_dma2 semaphore(%run_scoped3A : memref<!tpu.dma_semaphore, #tpu.memory_space<semaphore_mem>>) src(%dma_wait3A_144 : memref<512xi32, #tpu.memory_space<hbm>>) dst(%dma_wait3A_143 : memref<512xi32, #tpu.memory_space<vmem>>)
        tpu.yield
      }) : () -> ()
      %max3A = arith.maxsi %squeeze3A, %add3A_93 : i32
      %sub3A_95 = arith.subi %max3A, %min3A_94 : i32
      %add3A_96 = arith.constant 512 : i32
      %add3A_97 = arith.addi %add3A_93, %add3A_96 : i32
      %min3A_98 = arith.minsi %squeeze3A_9, %add3A_97 : i32
      %sub3A_99 = arith.subi %min3A_98, %min3A_94 : i32
      %sub3A_100 = arith.constant 1 : i32
      %sub3A_101 = arith.subi %sub3A_99, %sub3A_100 : i32
      %max3A_102 = arith.constant 0 : i32
      %max3A_103 = arith.maxsi %sub3A_101, %max3A_102 : i32
      %get3A_104 = arith.index_cast %max3A_103 : i32 to index
      %get3A_105 = tpu.vector_load %arg8[%get3A_104] {strides = array<i32>} : memref<528xi32, #tpu.memory_space<vmem>>, vector<16xi32>,
      %get3A_106 = vector.shape_cast %get3A_105 : vector<16xi32> to vector<16xi32>
      %slice3A_107 = vector.extract_strided_slice %get3A_106 {offsets = [0], sizes = [1], strides = [1]} : vector<16xi32> to vector<1xi32>
      %squeeze3A_108 = vector.extract %slice3A_107[0] : i32 from vector<1xi32>
      %sub3A_109 = arith.subi %squeeze3A_108, %mul3A_2 : i32
      %sub3A_110 = arith.constant 1 : i32
      %sub3A_111 = arith.subi %while3A_88, %sub3A_110 : i32
      %max3A_112 = arith.maxsi %sub3A_109, %sub3A_111 : i32
      %min3A_113 = arith.constant 63 : i32
      %min3A_114 = arith.minsi %max3A_112, %min3A_113 : i32
      %add3A_115 = arith.constant 1 : i32
      %add3A_116 = arith.addi %min3A_114, %add3A_115 : i32
      %sub3A_117 = arith.subi %add3A_116, %while3A_88 : i32
      %sub3A_118 = arith.constant 1 : i32
      %sub3A_119 = arith.constant 1 : i32
      %sub3A_120 = arith.subi %sub3A_118, %sub3A_119 : i32
      %add3A_121 = arith.addi %sub3A_117, %sub3A_120 : i32
      %div3A_122 = arith.constant 1 : i32
      %div3A_123 = arith.divsi %add3A_121, %div3A_122 : i32
      %while3A_124 = arith.constant 1 : i32
      %while3A_125 = arith.constant 0 : i32
      %while3A_126 = arith.subi %div3A_123, %while3A_125 : i32
      %while3A_127 = arith.addi %while3A_125, %while3A_126 : i32
      %while3A_128 = arith.constant 1 : i32
      %while3A_129 = arith.divsi %while3A_126, %while3A_128 : i32
      %while3A_130 = arith.muli %while3A_129, %while3A_128 : i32
      %while3A_131 = arith.addi %while3A_125, %while3A_130 : i32
      %while3A_132 = arith.constant 1 : i32
      scf.for %while3A_135 = %while3A_125 to %while3A_131 step %while3A_132  : i32 {
        %mul3A_136 = arith.muli %while3A_135, %while3A_124 : i32
        %add3A_137 = arith.addi %while3A_88, %mul3A_136 : i32
        %get3A_138 = arith.index_cast %add3A_137 : i32 to index
        %get3A_139 = tpu.vector_load %arg11[%get3A_138] {strides = array<i32>} : memref<96xi32, #tpu.memory_space<vmem>>, vector<16xi32>,
        %get3A_140 = vector.shape_cast %get3A_139 : vector<16xi32> to vector<16xi32>
        %slice3A_141 = vector.extract_strided_slice %get3A_140 {offsets = [0], sizes = [1], strides = [1]} : vector<16xi32> to vector<1xi32>
        %squeeze3A_142 = vector.extract %slice3A_141[0] : i32 from vector<1xi32>
        %sub3A_143 = arith.subi %squeeze3A_142, %min3A_94 : i32
        %max3A_144 = arith.maxsi %sub3A_143, %sub3A_95 : i32
        %add3A_145 = arith.constant 1 : i32
        %add3A_146 = arith.addi %add3A_137, %add3A_145 : i32
        %get3A_147 = arith.index_cast %add3A_146 : i32 to index
        %get3A_148 = tpu.vector_load %arg11[%get3A_147] {strides = array<i32>} : memref<96xi32, #tpu.memory_space<vmem>>, vector<16xi32>,
        %get3A_149 = vector.shape_cast %get3A_148 : vector<16xi32> to vector<16xi32>
        %slice3A_150 = vector.extract_strided_slice %get3A_149 {offsets = [0], sizes = [1], strides = [1]} : vector<16xi32> to vector<1xi32>
        %squeeze3A_151 = vector.extract %slice3A_150[0] : i32 from vector<1xi32>
        %sub3A_152 = arith.subi %squeeze3A_151, %min3A_94 : i32
        %min3A_153 = arith.minsi %sub3A_152, %sub3A_99 : i32
        %get3A_154 = arith.index_cast %add3A_137 : i32 to index
        %get3A_155 = arith.constant 0 : index
        %get3A_156 = tpu.vector_load %arg9[%get3A_154, %get3A_155] {strides = array<i32>} : memref<64x128xf32, #tpu.memory_space<vmem>>, vector<1x16xf32>,
        %get3A_157 = vector.shape_cast %get3A_156 : vector<1x16xf32> to vector<16xf32>
        %get3A_158 = arith.index_cast %add3A_137 : i32 to index
        %get3A_159 = arith.constant 16 : index
        %get3A_160 = tpu.vector_load %arg9[%get3A_158, %get3A_159] {strides = array<i32>} : memref<64x128xf32, #tpu.memory_space<vmem>>, vector<1x16xf32>,
        %get3A_161 = vector.shape_cast %get3A_160 : vector<1x16xf32> to vector<16xf32>
        %get3A_162 = arith.index_cast %add3A_137 : i32 to index
        %get3A_163 = arith.constant 32 : index
        %get3A_164 = tpu.vector_load %arg9[%get3A_162, %get3A_163] {strides = array<i32>} : memref<64x128xf32, #tpu.memory_space<vmem>>, vector<1x16xf32>,
        %get3A_165 = vector.shape_cast %get3A_164 : vector<1x16xf32> to vector<16xf32>
        %get3A_166 = arith.index_cast %add3A_137 : i32 to index
        %get3A_167 = arith.constant 48 : index
        %get3A_168 = tpu.vector_load %arg9[%get3A_166, %get3A_167] {strides = array<i32>} : memref<64x128xf32, #tpu.memory_space<vmem>>, vector<1x16xf32>,
        %get3A_169 = vector.shape_cast %get3A_168 : vector<1x16xf32> to vector<16xf32>
        %get3A_170 = arith.index_cast %add3A_137 : i32 to index
        %get3A_171 = arith.constant 64 : index
        %get3A_172 = tpu.vector_load %arg9[%get3A_170, %get3A_171] {strides = array<i32>} : memref<64x128xf32, #tpu.memory_space<vmem>>, vector<1x16xf32>,
        %get3A_173 = vector.shape_cast %get3A_172 : vector<1x16xf32> to vector<16xf32>
        %get3A_174 = arith.index_cast %add3A_137 : i32 to index
        %get3A_175 = arith.constant 80 : index
        %get3A_176 = tpu.vector_load %arg9[%get3A_174, %get3A_175] {strides = array<i32>} : memref<64x128xf32, #tpu.memory_space<vmem>>, vector<1x16xf32>,
        %get3A_177 = vector.shape_cast %get3A_176 : vector<1x16xf32> to vector<16xf32>
        %get3A_178 = arith.index_cast %add3A_137 : i32 to index
        %get3A_179 = arith.constant 96 : index
        %get3A_180 = tpu.vector_load %arg9[%get3A_178, %get3A_179] {strides = array<i32>} : memref<64x128xf32, #tpu.memory_space<vmem>>, vector<1x16xf32>,
        %get3A_181 = vector.shape_cast %get3A_180 : vector<1x16xf32> to vector<16xf32>
        %get3A_182 = arith.index_cast %add3A_137 : i32 to index
        %get3A_183 = arith.constant 112 : index
        %get3A_184 = tpu.vector_load %arg9[%get3A_182, %get3A_183] {strides = array<i32>} : memref<64x128xf32, #tpu.memory_space<vmem>>, vector<1x16xf32>,
        %get3A_185 = vector.shape_cast %get3A_184 : vector<1x16xf32> to vector<16xf32>
        %get3A_186 = arith.index_cast %add3A_137 : i32 to index
        %get3A_187 = arith.constant 0 : index
        %get3A_188 = tpu.vector_load %arg10[%get3A_186, %get3A_187] {strides = array<i32>} : memref<64x128xf32, #tpu.memory_space<vmem>>, vector<1x16xf32>,
        %get3A_189 = vector.shape_cast %get3A_188 : vector<1x16xf32> to vector<16xf32>
        %get3A_190 = arith.index_cast %add3A_137 : i32 to index
        %get3A_191 = arith.constant 16 : index
        %get3A_192 = tpu.vector_load %arg10[%get3A_190, %get3A_191] {strides = array<i32>} : memref<64x128xf32, #tpu.memory_space<vmem>>, vector<1x16xf32>,
        %get3A_193 = vector.shape_cast %get3A_192 : vector<1x16xf32> to vector<16xf32>
        %get3A_194 = arith.index_cast %add3A_137 : i32 to index
        %get3A_195 = arith.constant 32 : index
        %get3A_196 = tpu.vector_load %arg10[%get3A_194, %get3A_195] {strides = array<i32>} : memref<64x128xf32, #tpu.memory_space<vmem>>, vector<1x16xf32>,
        %get3A_197 = vector.shape_cast %get3A_196 : vector<1x16xf32> to vector<16xf32>
        %get3A_198 = arith.index_cast %add3A_137 : i32 to index
        %get3A_199 = arith.constant 48 : index
        %get3A_200 = tpu.vector_load %arg10[%get3A_198, %get3A_199] {strides = array<i32>} : memref<64x128xf32, #tpu.memory_space<vmem>>, vector<1x16xf32>,
        %get3A_201 = vector.shape_cast %get3A_200 : vector<1x16xf32> to vector<16xf32>
        %get3A_202 = arith.index_cast %add3A_137 : i32 to index
        %get3A_203 = arith.constant 64 : index
        %get3A_204 = tpu.vector_load %arg10[%get3A_202, %get3A_203] {strides = array<i32>} : memref<64x128xf32, #tpu.memory_space<vmem>>, vector<1x16xf32>,
        %get3A_205 = vector.shape_cast %get3A_204 : vector<1x16xf32> to vector<16xf32>
        %get3A_206 = arith.index_cast %add3A_137 : i32 to index
        %get3A_207 = arith.constant 80 : index
        %get3A_208 = tpu.vector_load %arg10[%get3A_206, %get3A_207] {strides = array<i32>} : memref<64x128xf32, #tpu.memory_space<vmem>>, vector<1x16xf32>,
        %get3A_209 = vector.shape_cast %get3A_208 : vector<1x16xf32> to vector<16xf32>
        %get3A_210 = arith.index_cast %add3A_137 : i32 to index
        %get3A_211 = arith.constant 96 : index
        %get3A_212 = tpu.vector_load %arg10[%get3A_210, %get3A_211] {strides = array<i32>} : memref<64x128xf32, #tpu.memory_space<vmem>>, vector<1x16xf32>,
        %get3A_213 = vector.shape_cast %get3A_212 : vector<1x16xf32> to vector<16xf32>
        %get3A_214 = arith.index_cast %add3A_137 : i32 to index
        %get3A_215 = arith.constant 112 : index
        %get3A_216 = tpu.vector_load %arg10[%get3A_214, %get3A_215] {strides = array<i32>} : memref<64x128xf32, #tpu.memory_space<vmem>>, vector<1x16xf32>,
        %get3A_217 = vector.shape_cast %get3A_216 : vector<1x16xf32> to vector<16xf32>
        %parallel_loop3A = arith.constant 1 : i32
        %parallel_loop3A_218:16 = scf.for %parallel_loop3A_298 = %max3A_144 to %min3A_153 step %parallel_loop3A iter_args(%parallel_loop3A_299 = %get3A_157, %parallel_loop3A_300 = %get3A_161, %parallel_loop3A_301 = %get3A_165, %parallel_loop3A_302 = %get3A_169, %parallel_loop3A_303 = %get3A_173, %parallel_loop3A_304 = %get3A_177, %parallel_loop3A_305 = %get3A_181, %parallel_loop3A_306 = %get3A_185, %parallel_loop3A_307 = %get3A_189, %parallel_loop3A_308 = %get3A_193, %parallel_loop3A_309 = %get3A_197, %parallel_loop3A_310 = %get3A_201, %parallel_loop3A_311 = %get3A_205, %parallel_loop3A_312 = %get3A_209, %parallel_loop3A_313 = %get3A_213, %parallel_loop3A_314 = %get3A_217) -> (vector<16xf32>, vector<16xf32>, vector<16xf32>, vector<16xf32>, vector<16xf32>, vector<16xf32>, vector<16xf32>, vector<16xf32>, vector<16xf32>, vector<16xf32>, vector<16xf32>, vector<16xf32>, vector<16xf32>, vector<16xf32>, vector<16xf32>, vector<16xf32>)  : i32 {
          %parallel_loop3A_315 = arith.index_cast %parallel_loop3A_298 : i32 to index
          %parallel_loop3A_316 = arith.constant 0 : index
          %parallel_loop3A_317 = tpu.vector_load %arg7[%parallel_loop3A_315, %parallel_loop3A_316] {strides = array<i32>} : memref<512x128xf32, #tpu.memory_space<vmem>>, vector<1x16xf32>,
          %parallel_loop3A_318 = vector.shape_cast %parallel_loop3A_317 : vector<1x16xf32> to vector<16xf32>
          %parallel_loop3A_319 = arith.index_cast %parallel_loop3A_298 : i32 to index
          %parallel_loop3A_320 = arith.constant 16 : index
          %parallel_loop3A_321 = tpu.vector_load %arg7[%parallel_loop3A_319, %parallel_loop3A_320] {strides = array<i32>} : memref<512x128xf32, #tpu.memory_space<vmem>>, vector<1x16xf32>,
          %parallel_loop3A_322 = vector.shape_cast %parallel_loop3A_321 : vector<1x16xf32> to vector<16xf32>
          %parallel_loop3A_323 = arith.index_cast %parallel_loop3A_298 : i32 to index
          %parallel_loop3A_324 = arith.constant 32 : index
          %parallel_loop3A_325 = tpu.vector_load %arg7[%parallel_loop3A_323, %parallel_loop3A_324] {strides = array<i32>} : memref<512x128xf32, #tpu.memory_space<vmem>>, vector<1x16xf32>,
          %parallel_loop3A_326 = vector.shape_cast %parallel_loop3A_325 : vector<1x16xf32> to vector<16xf32>
          %parallel_loop3A_327 = arith.index_cast %parallel_loop3A_298 : i32 to index
          %parallel_loop3A_328 = arith.constant 48 : index
          %parallel_loop3A_329 = tpu.vector_load %arg7[%parallel_loop3A_327, %parallel_loop3A_328] {strides = array<i32>} : memref<512x128xf32, #tpu.memory_space<vmem>>, vector<1x16xf32>,
          %parallel_loop3A_330 = vector.shape_cast %parallel_loop3A_329 : vector<1x16xf32> to vector<16xf32>
          %parallel_loop3A_331 = arith.index_cast %parallel_loop3A_298 : i32 to index
          %parallel_loop3A_332 = arith.constant 64 : index
          %parallel_loop3A_333 = tpu.vector_load %arg7[%parallel_loop3A_331, %parallel_loop3A_332] {strides = array<i32>} : memref<512x128xf32, #tpu.memory_space<vmem>>, vector<1x16xf32>,
          %parallel_loop3A_334 = vector.shape_cast %parallel_loop3A_333 : vector<1x16xf32> to vector<16xf32>
          %parallel_loop3A_335 = arith.index_cast %parallel_loop3A_298 : i32 to index
          %parallel_loop3A_336 = arith.constant 80 : index
          %parallel_loop3A_337 = tpu.vector_load %arg7[%parallel_loop3A_335, %parallel_loop3A_336] {strides = array<i32>} : memref<512x128xf32, #tpu.memory_space<vmem>>, vector<1x16xf32>,
          %parallel_loop3A_338 = vector.shape_cast %parallel_loop3A_337 : vector<1x16xf32> to vector<16xf32>
          %parallel_loop3A_339 = arith.index_cast %parallel_loop3A_298 : i32 to index
          %parallel_loop3A_340 = arith.constant 96 : index
          %parallel_loop3A_341 = tpu.vector_load %arg7[%parallel_loop3A_339, %parallel_loop3A_340] {strides = array<i32>} : memref<512x128xf32, #tpu.memory_space<vmem>>, vector<1x16xf32>,
          %parallel_loop3A_342 = vector.shape_cast %parallel_loop3A_341 : vector<1x16xf32> to vector<16xf32>
          %parallel_loop3A_343 = arith.index_cast %parallel_loop3A_298 : i32 to index
          %parallel_loop3A_344 = arith.constant 112 : index
          %parallel_loop3A_345 = tpu.vector_load %arg7[%parallel_loop3A_343, %parallel_loop3A_344] {strides = array<i32>} : memref<512x128xf32, #tpu.memory_space<vmem>>, vector<1x16xf32>,
          %parallel_loop3A_346 = vector.shape_cast %parallel_loop3A_345 : vector<1x16xf32> to vector<16xf32>
          %parallel_loop3A_347 = arith.addf %parallel_loop3A_299, %parallel_loop3A_318 : vector<16xf32>
          %parallel_loop3A_348 = arith.addf %parallel_loop3A_300, %parallel_loop3A_322 : vector<16xf32>
          %parallel_loop3A_349 = arith.addf %parallel_loop3A_301, %parallel_loop3A_326 : vector<16xf32>
          %parallel_loop3A_350 = arith.addf %parallel_loop3A_302, %parallel_loop3A_330 : vector<16xf32>
          %parallel_loop3A_351 = arith.addf %parallel_loop3A_303, %parallel_loop3A_334 : vector<16xf32>
          %parallel_loop3A_352 = arith.addf %parallel_loop3A_304, %parallel_loop3A_338 : vector<16xf32>
          %parallel_loop3A_353 = arith.addf %parallel_loop3A_305, %parallel_loop3A_342 : vector<16xf32>
          %parallel_loop3A_354 = arith.addf %parallel_loop3A_306, %parallel_loop3A_346 : vector<16xf32>
          %parallel_loop3A_355 = arith.maximumf %parallel_loop3A_307, %parallel_loop3A_318 : vector<16xf32>
          %parallel_loop3A_356 = arith.maximumf %parallel_loop3A_308, %parallel_loop3A_322 : vector<16xf32>
          %parallel_loop3A_357 = arith.maximumf %parallel_loop3A_309, %parallel_loop3A_326 : vector<16xf32>
          %parallel_loop3A_358 = arith.maximumf %parallel_loop3A_310, %parallel_loop3A_330 : vector<16xf32>
          %parallel_loop3A_359 = arith.maximumf %parallel_loop3A_311, %parallel_loop3A_334 : vector<16xf32>
          %parallel_loop3A_360 = arith.maximumf %parallel_loop3A_312, %parallel_loop3A_338 : vector<16xf32>
          %parallel_loop3A_361 = arith.maximumf %parallel_loop3A_313, %parallel_loop3A_342 : vector<16xf32>
          %parallel_loop3A_362 = arith.maximumf %parallel_loop3A_314, %parallel_loop3A_346 : vector<16xf32>
          scf.yield %parallel_loop3A_347, %parallel_loop3A_348, %parallel_loop3A_349, %parallel_loop3A_350, %parallel_loop3A_351, %parallel_loop3A_352, %parallel_loop3A_353, %parallel_loop3A_354, %parallel_loop3A_355, %parallel_loop3A_356, %parallel_loop3A_357, %parallel_loop3A_358, %parallel_loop3A_359, %parallel_loop3A_360, %parallel_loop3A_361, %parallel_loop3A_362 : vector<16xf32>, vector<16xf32>, vector<16xf32>, vector<16xf32>, vector<16xf32>, vector<16xf32>, vector<16xf32>, vector<16xf32>, vector<16xf32>, vector<16xf32>, vector<16xf32>, vector<16xf32>, vector<16xf32>, vector<16xf32>, vector<16xf32>, vector<16xf32>
        } {sc.loop_unroll_factor = 8 : i64, sc.parallel_access}
        %swap3A = arith.index_cast %add3A_137 : i32 to index
        %swap3A_219 = arith.constant 0 : index
        %swap3A_220 = tpu.vector_load %arg9[%swap3A, %swap3A_219] {strides = array<i32>} : memref<64x128xf32, #tpu.memory_space<vmem>>, vector<1x16xf32>,
        %swap3A_221 = vector.shape_cast %swap3A_220 : vector<1x16xf32> to vector<16xf32>
        %swap3A_222 = vector.shape_cast %parallel_loop3A_218#0 : vector<16xf32> to vector<1x16xf32>
        tpu.vector_store %arg9[%swap3A, %swap3A_219], %swap3A_222 {strides = array<i32>} : memref<64x128xf32, #tpu.memory_space<vmem>>, vector<1x16xf32>,
        %swap3A_223 = arith.index_cast %add3A_137 : i32 to index
        %swap3A_224 = arith.constant 0 : index
        %swap3A_225 = tpu.vector_load %arg10[%swap3A_223, %swap3A_224] {strides = array<i32>} : memref<64x128xf32, #tpu.memory_space<vmem>>, vector<1x16xf32>,
        %swap3A_226 = vector.shape_cast %swap3A_225 : vector<1x16xf32> to vector<16xf32>
        %swap3A_227 = vector.shape_cast %parallel_loop3A_218#8 : vector<16xf32> to vector<1x16xf32>
        tpu.vector_store %arg10[%swap3A_223, %swap3A_224], %swap3A_227 {strides = array<i32>} : memref<64x128xf32, #tpu.memory_space<vmem>>, vector<1x16xf32>,
        %swap3A_228 = arith.index_cast %add3A_137 : i32 to index
        %swap3A_229 = arith.constant 16 : index
        %swap3A_230 = tpu.vector_load %arg9[%swap3A_228, %swap3A_229] {strides = array<i32>} : memref<64x128xf32, #tpu.memory_space<vmem>>, vector<1x16xf32>,
        %swap3A_231 = vector.shape_cast %swap3A_230 : vector<1x16xf32> to vector<16xf32>
        %swap3A_232 = vector.shape_cast %parallel_loop3A_218#1 : vector<16xf32> to vector<1x16xf32>
        tpu.vector_store %arg9[%swap3A_228, %swap3A_229], %swap3A_232 {strides = array<i32>} : memref<64x128xf32, #tpu.memory_space<vmem>>, vector<1x16xf32>,
        %swap3A_233 = arith.index_cast %add3A_137 : i32 to index
        %swap3A_234 = arith.constant 16 : index
        %swap3A_235 = tpu.vector_load %arg10[%swap3A_233, %swap3A_234] {strides = array<i32>} : memref<64x128xf32, #tpu.memory_space<vmem>>, vector<1x16xf32>,
        %swap3A_236 = vector.shape_cast %swap3A_235 : vector<1x16xf32> to vector<16xf32>
        %swap3A_237 = vector.shape_cast %parallel_loop3A_218#9 : vector<16xf32> to vector<1x16xf32>
        tpu.vector_store %arg10[%swap3A_233, %swap3A_234], %swap3A_237 {strides = array<i32>} : memref<64x128xf32, #tpu.memory_space<vmem>>, vector<1x16xf32>,
        %swap3A_238 = arith.index_cast %add3A_137 : i32 to index
        %swap3A_239 = arith.constant 32 : index
        %swap3A_240 = tpu.vector_load %arg9[%swap3A_238, %swap3A_239] {strides = array<i32>} : memref<64x128xf32, #tpu.memory_space<vmem>>, vector<1x16xf32>,
        %swap3A_241 = vector.shape_cast %swap3A_240 : vector<1x16xf32> to vector<16xf32>
        %swap3A_242 = vector.shape_cast %parallel_loop3A_218#2 : vector<16xf32> to vector<1x16xf32>
        tpu.vector_store %arg9[%swap3A_238, %swap3A_239], %swap3A_242 {strides = array<i32>} : memref<64x128xf32, #tpu.memory_space<vmem>>, vector<1x16xf32>,
        %swap3A_243 = arith.index_cast %add3A_137 : i32 to index
        %swap3A_244 = arith.constant 32 : index
        %swap3A_245 = tpu.vector_load %arg10[%swap3A_243, %swap3A_244] {strides = array<i32>} : memref<64x128xf32, #tpu.memory_space<vmem>>, vector<1x16xf32>,
        %swap3A_246 = vector.shape_cast %swap3A_245 : vector<1x16xf32> to vector<16xf32>
        %swap3A_247 = vector.shape_cast %parallel_loop3A_218#10 : vector<16xf32> to vector<1x16xf32>
        tpu.vector_store %arg10[%swap3A_243, %swap3A_244], %swap3A_247 {strides = array<i32>} : memref<64x128xf32, #tpu.memory_space<vmem>>, vector<1x16xf32>,
        %swap3A_248 = arith.index_cast %add3A_137 : i32 to index
        %swap3A_249 = arith.constant 48 : index
        %swap3A_250 = tpu.vector_load %arg9[%swap3A_248, %swap3A_249] {strides = array<i32>} : memref<64x128xf32, #tpu.memory_space<vmem>>, vector<1x16xf32>,
        %swap3A_251 = vector.shape_cast %swap3A_250 : vector<1x16xf32> to vector<16xf32>
        %swap3A_252 = vector.shape_cast %parallel_loop3A_218#3 : vector<16xf32> to vector<1x16xf32>
        tpu.vector_store %arg9[%swap3A_248, %swap3A_249], %swap3A_252 {strides = array<i32>} : memref<64x128xf32, #tpu.memory_space<vmem>>, vector<1x16xf32>,
        %swap3A_253 = arith.index_cast %add3A_137 : i32 to index
        %swap3A_254 = arith.constant 48 : index
        %swap3A_255 = tpu.vector_load %arg10[%swap3A_253, %swap3A_254] {strides = array<i32>} : memref<64x128xf32, #tpu.memory_space<vmem>>, vector<1x16xf32>,
        %swap3A_256 = vector.shape_cast %swap3A_255 : vector<1x16xf32> to vector<16xf32>
        %swap3A_257 = vector.shape_cast %parallel_loop3A_218#11 : vector<16xf32> to vector<1x16xf32>
        tpu.vector_store %arg10[%swap3A_253, %swap3A_254], %swap3A_257 {strides = array<i32>} : memref<64x128xf32, #tpu.memory_space<vmem>>, vector<1x16xf32>,
        %swap3A_258 = arith.index_cast %add3A_137 : i32 to index
        %swap3A_259 = arith.constant 64 : index
        %swap3A_260 = tpu.vector_load %arg9[%swap3A_258, %swap3A_259] {strides = array<i32>} : memref<64x128xf32, #tpu.memory_space<vmem>>, vector<1x16xf32>,
        %swap3A_261 = vector.shape_cast %swap3A_260 : vector<1x16xf32> to vector<16xf32>
        %swap3A_262 = vector.shape_cast %parallel_loop3A_218#4 : vector<16xf32> to vector<1x16xf32>
        tpu.vector_store %arg9[%swap3A_258, %swap3A_259], %swap3A_262 {strides = array<i32>} : memref<64x128xf32, #tpu.memory_space<vmem>>, vector<1x16xf32>,
        %swap3A_263 = arith.index_cast %add3A_137 : i32 to index
        %swap3A_264 = arith.constant 64 : index
        %swap3A_265 = tpu.vector_load %arg10[%swap3A_263, %swap3A_264] {strides = array<i32>} : memref<64x128xf32, #tpu.memory_space<vmem>>, vector<1x16xf32>,
        %swap3A_266 = vector.shape_cast %swap3A_265 : vector<1x16xf32> to vector<16xf32>
        %swap3A_267 = vector.shape_cast %parallel_loop3A_218#12 : vector<16xf32> to vector<1x16xf32>
        tpu.vector_store %arg10[%swap3A_263, %swap3A_264], %swap3A_267 {strides = array<i32>} : memref<64x128xf32, #tpu.memory_space<vmem>>, vector<1x16xf32>,
        %swap3A_268 = arith.index_cast %add3A_137 : i32 to index
        %swap3A_269 = arith.constant 80 : index
        %swap3A_270 = tpu.vector_load %arg9[%swap3A_268, %swap3A_269] {strides = array<i32>} : memref<64x128xf32, #tpu.memory_space<vmem>>, vector<1x16xf32>,
        %swap3A_271 = vector.shape_cast %swap3A_270 : vector<1x16xf32> to vector<16xf32>
        %swap3A_272 = vector.shape_cast %parallel_loop3A_218#5 : vector<16xf32> to vector<1x16xf32>
        tpu.vector_store %arg9[%swap3A_268, %swap3A_269], %swap3A_272 {strides = array<i32>} : memref<64x128xf32, #tpu.memory_space<vmem>>, vector<1x16xf32>,
        %swap3A_273 = arith.index_cast %add3A_137 : i32 to index
        %swap3A_274 = arith.constant 80 : index
        %swap3A_275 = tpu.vector_load %arg10[%swap3A_273, %swap3A_274] {strides = array<i32>} : memref<64x128xf32, #tpu.memory_space<vmem>>, vector<1x16xf32>,
        %swap3A_276 = vector.shape_cast %swap3A_275 : vector<1x16xf32> to vector<16xf32>
        %swap3A_277 = vector.shape_cast %parallel_loop3A_218#13 : vector<16xf32> to vector<1x16xf32>
        tpu.vector_store %arg10[%swap3A_273, %swap3A_274], %swap3A_277 {strides = array<i32>} : memref<64x128xf32, #tpu.memory_space<vmem>>, vector<1x16xf32>,
        %swap3A_278 = arith.index_cast %add3A_137 : i32 to index
        %swap3A_279 = arith.constant 96 : index
        %swap3A_280 = tpu.vector_load %arg9[%swap3A_278, %swap3A_279] {strides = array<i32>} : memref<64x128xf32, #tpu.memory_space<vmem>>, vector<1x16xf32>,
        %swap3A_281 = vector.shape_cast %swap3A_280 : vector<1x16xf32> to vector<16xf32>
        %swap3A_282 = vector.shape_cast %parallel_loop3A_218#6 : vector<16xf32> to vector<1x16xf32>
        tpu.vector_store %arg9[%swap3A_278, %swap3A_279], %swap3A_282 {strides = array<i32>} : memref<64x128xf32, #tpu.memory_space<vmem>>, vector<1x16xf32>,
        %swap3A_283 = arith.index_cast %add3A_137 : i32 to index
        %swap3A_284 = arith.constant 96 : index
        %swap3A_285 = tpu.vector_load %arg10[%swap3A_283, %swap3A_284] {strides = array<i32>} : memref<64x128xf32, #tpu.memory_space<vmem>>, vector<1x16xf32>,
        %swap3A_286 = vector.shape_cast %swap3A_285 : vector<1x16xf32> to vector<16xf32>
        %swap3A_287 = vector.shape_cast %parallel_loop3A_218#14 : vector<16xf32> to vector<1x16xf32>
        tpu.vector_store %arg10[%swap3A_283, %swap3A_284], %swap3A_287 {strides = array<i32>} : memref<64x128xf32, #tpu.memory_space<vmem>>, vector<1x16xf32>,
        %swap3A_288 = arith.index_cast %add3A_137 : i32 to index
        %swap3A_289 = arith.constant 112 : index
        %swap3A_290 = tpu.vector_load %arg9[%swap3A_288, %swap3A_289] {strides = array<i32>} : memref<64x128xf32, #tpu.memory_space<vmem>>, vector<1x16xf32>,
        %swap3A_291 = vector.shape_cast %swap3A_290 : vector<1x16xf32> to vector<16xf32>
        %swap3A_292 = vector.shape_cast %parallel_loop3A_218#7 : vector<16xf32> to vector<1x16xf32>
        tpu.vector_store %arg9[%swap3A_288, %swap3A_289], %swap3A_292 {strides = array<i32>} : memref<64x128xf32, #tpu.memory_space<vmem>>, vector<1x16xf32>,
        %swap3A_293 = arith.index_cast %add3A_137 : i32 to index
        %swap3A_294 = arith.constant 112 : index
        %swap3A_295 = tpu.vector_load %arg10[%swap3A_293, %swap3A_294] {strides = array<i32>} : memref<64x128xf32, #tpu.memory_space<vmem>>, vector<1x16xf32>,
        %swap3A_296 = vector.shape_cast %swap3A_295 : vector<1x16xf32> to vector<16xf32>
        %swap3A_297 = vector.shape_cast %parallel_loop3A_218#15 : vector<16xf32> to vector<1x16xf32>
        tpu.vector_store %arg10[%swap3A_293, %swap3A_294], %swap3A_297 {strides = array<i32>} : memref<64x128xf32, #tpu.memory_space<vmem>>, vector<1x16xf32>,
      }
      %while3A_133 = arith.constant 1 : i32
      scf.for %while3A_135 = %while3A_131 to %while3A_127 step %while3A_133  : i32 {
        %mul3A_136 = arith.muli %while3A_135, %while3A_124 : i32
        %add3A_137 = arith.addi %while3A_88, %mul3A_136 : i32
        %get3A_138 = arith.index_cast %add3A_137 : i32 to index
        %get3A_139 = tpu.vector_load %arg11[%get3A_138] {strides = array<i32>} : memref<96xi32, #tpu.memory_space<vmem>>, vector<16xi32>,
        %get3A_140 = vector.shape_cast %get3A_139 : vector<16xi32> to vector<16xi32>
        %slice3A_141 = vector.extract_strided_slice %get3A_140 {offsets = [0], sizes = [1], strides = [1]} : vector<16xi32> to vector<1xi32>
        %squeeze3A_142 = vector.extract %slice3A_141[0] : i32 from vector<1xi32>
        %sub3A_143 = arith.subi %squeeze3A_142, %min3A_94 : i32
        %max3A_144 = arith.maxsi %sub3A_143, %sub3A_95 : i32
        %add3A_145 = arith.constant 1 : i32
        %add3A_146 = arith.addi %add3A_137, %add3A_145 : i32
        %get3A_147 = arith.index_cast %add3A_146 : i32 to index
        %get3A_148 = tpu.vector_load %arg11[%get3A_147] {strides = array<i32>} : memref<96xi32, #tpu.memory_space<vmem>>, vector<16xi32>,
        %get3A_149 = vector.shape_cast %get3A_148 : vector<16xi32> to vector<16xi32>
        %slice3A_150 = vector.extract_strided_slice %get3A_149 {offsets = [0], sizes = [1], strides = [1]} : vector<16xi32> to vector<1xi32>
        %squeeze3A_151 = vector.extract %slice3A_150[0] : i32 from vector<1xi32>
        %sub3A_152 = arith.subi %squeeze3A_151, %min3A_94 : i32
        %min3A_153 = arith.minsi %sub3A_152, %sub3A_99 : i32
        %get3A_154 = arith.index_cast %add3A_137 : i32 to index
        %get3A_155 = arith.constant 0 : index
        %get3A_156 = tpu.vector_load %arg9[%get3A_154, %get3A_155] {strides = array<i32>} : memref<64x128xf32, #tpu.memory_space<vmem>>, vector<1x16xf32>,
        %get3A_157 = vector.shape_cast %get3A_156 : vector<1x16xf32> to vector<16xf32>
        %get3A_158 = arith.index_cast %add3A_137 : i32 to index
        %get3A_159 = arith.constant 16 : index
        %get3A_160 = tpu.vector_load %arg9[%get3A_158, %get3A_159] {strides = array<i32>} : memref<64x128xf32, #tpu.memory_space<vmem>>, vector<1x16xf32>,
        %get3A_161 = vector.shape_cast %get3A_160 : vector<1x16xf32> to vector<16xf32>
        %get3A_162 = arith.index_cast %add3A_137 : i32 to index
        %get3A_163 = arith.constant 32 : index
        %get3A_164 = tpu.vector_load %arg9[%get3A_162, %get3A_163] {strides = array<i32>} : memref<64x128xf32, #tpu.memory_space<vmem>>, vector<1x16xf32>,
        %get3A_165 = vector.shape_cast %get3A_164 : vector<1x16xf32> to vector<16xf32>
        %get3A_166 = arith.index_cast %add3A_137 : i32 to index
        %get3A_167 = arith.constant 48 : index
        %get3A_168 = tpu.vector_load %arg9[%get3A_166, %get3A_167] {strides = array<i32>} : memref<64x128xf32, #tpu.memory_space<vmem>>, vector<1x16xf32>,
        %get3A_169 = vector.shape_cast %get3A_168 : vector<1x16xf32> to vector<16xf32>
        %get3A_170 = arith.index_cast %add3A_137 : i32 to index
        %get3A_171 = arith.constant 64 : index
        %get3A_172 = tpu.vector_load %arg9[%get3A_170, %get3A_171] {strides = array<i32>} : memref<64x128xf32, #tpu.memory_space<vmem>>, vector<1x16xf32>,
        %get3A_173 = vector.shape_cast %get3A_172 : vector<1x16xf32> to vector<16xf32>
        %get3A_174 = arith.index_cast %add3A_137 : i32 to index
        %get3A_175 = arith.constant 80 : index
        %get3A_176 = tpu.vector_load %arg9[%get3A_174, %get3A_175] {strides = array<i32>} : memref<64x128xf32, #tpu.memory_space<vmem>>, vector<1x16xf32>,
        %get3A_177 = vector.shape_cast %get3A_176 : vector<1x16xf32> to vector<16xf32>
        %get3A_178 = arith.index_cast %add3A_137 : i32 to index
        %get3A_179 = arith.constant 96 : index
        %get3A_180 = tpu.vector_load %arg9[%get3A_178, %get3A_179] {strides = array<i32>} : memref<64x128xf32, #tpu.memory_space<vmem>>, vector<1x16xf32>,
        %get3A_181 = vector.shape_cast %get3A_180 : vector<1x16xf32> to vector<16xf32>
        %get3A_182 = arith.index_cast %add3A_137 : i32 to index
        %get3A_183 = arith.constant 112 : index
        %get3A_184 = tpu.vector_load %arg9[%get3A_182, %get3A_183] {strides = array<i32>} : memref<64x128xf32, #tpu.memory_space<vmem>>, vector<1x16xf32>,
        %get3A_185 = vector.shape_cast %get3A_184 : vector<1x16xf32> to vector<16xf32>
        %get3A_186 = arith.index_cast %add3A_137 : i32 to index
        %get3A_187 = arith.constant 0 : index
        %get3A_188 = tpu.vector_load %arg10[%get3A_186, %get3A_187] {strides = array<i32>} : memref<64x128xf32, #tpu.memory_space<vmem>>, vector<1x16xf32>,
        %get3A_189 = vector.shape_cast %get3A_188 : vector<1x16xf32> to vector<16xf32>
        %get3A_190 = arith.index_cast %add3A_137 : i32 to index
        %get3A_191 = arith.constant 16 : index
        %get3A_192 = tpu.vector_load %arg10[%get3A_190, %get3A_191] {strides = array<i32>} : memref<64x128xf32, #tpu.memory_space<vmem>>, vector<1x16xf32>,
        %get3A_193 = vector.shape_cast %get3A_192 : vector<1x16xf32> to vector<16xf32>
        %get3A_194 = arith.index_cast %add3A_137 : i32 to index
        %get3A_195 = arith.constant 32 : index
        %get3A_196 = tpu.vector_load %arg10[%get3A_194, %get3A_195] {strides = array<i32>} : memref<64x128xf32, #tpu.memory_space<vmem>>, vector<1x16xf32>,
        %get3A_197 = vector.shape_cast %get3A_196 : vector<1x16xf32> to vector<16xf32>
        %get3A_198 = arith.index_cast %add3A_137 : i32 to index
        %get3A_199 = arith.constant 48 : index
        %get3A_200 = tpu.vector_load %arg10[%get3A_198, %get3A_199] {strides = array<i32>} : memref<64x128xf32, #tpu.memory_space<vmem>>, vector<1x16xf32>,
        %get3A_201 = vector.shape_cast %get3A_200 : vector<1x16xf32> to vector<16xf32>
        %get3A_202 = arith.index_cast %add3A_137 : i32 to index
        %get3A_203 = arith.constant 64 : index
        %get3A_204 = tpu.vector_load %arg10[%get3A_202, %get3A_203] {strides = array<i32>} : memref<64x128xf32, #tpu.memory_space<vmem>>, vector<1x16xf32>,
        %get3A_205 = vector.shape_cast %get3A_204 : vector<1x16xf32> to vector<16xf32>
        %get3A_206 = arith.index_cast %add3A_137 : i32 to index
        %get3A_207 = arith.constant 80 : index
        %get3A_208 = tpu.vector_load %arg10[%get3A_206, %get3A_207] {strides = array<i32>} : memref<64x128xf32, #tpu.memory_space<vmem>>, vector<1x16xf32>,
        %get3A_209 = vector.shape_cast %get3A_208 : vector<1x16xf32> to vector<16xf32>
        %get3A_210 = arith.index_cast %add3A_137 : i32 to index
        %get3A_211 = arith.constant 96 : index
        %get3A_212 = tpu.vector_load %arg10[%get3A_210, %get3A_211] {strides = array<i32>} : memref<64x128xf32, #tpu.memory_space<vmem>>, vector<1x16xf32>,
        %get3A_213 = vector.shape_cast %get3A_212 : vector<1x16xf32> to vector<16xf32>
        %get3A_214 = arith.index_cast %add3A_137 : i32 to index
        %get3A_215 = arith.constant 112 : index
        %get3A_216 = tpu.vector_load %arg10[%get3A_214, %get3A_215] {strides = array<i32>} : memref<64x128xf32, #tpu.memory_space<vmem>>, vector<1x16xf32>,
        %get3A_217 = vector.shape_cast %get3A_216 : vector<1x16xf32> to vector<16xf32>
        %parallel_loop3A = arith.constant 1 : i32
        %parallel_loop3A_218:16 = scf.for %parallel_loop3A_298 = %max3A_144 to %min3A_153 step %parallel_loop3A iter_args(%parallel_loop3A_299 = %get3A_157, %parallel_loop3A_300 = %get3A_161, %parallel_loop3A_301 = %get3A_165, %parallel_loop3A_302 = %get3A_169, %parallel_loop3A_303 = %get3A_173, %parallel_loop3A_304 = %get3A_177, %parallel_loop3A_305 = %get3A_181, %parallel_loop3A_306 = %get3A_185, %parallel_loop3A_307 = %get3A_189, %parallel_loop3A_308 = %get3A_193, %parallel_loop3A_309 = %get3A_197, %parallel_loop3A_310 = %get3A_201, %parallel_loop3A_311 = %get3A_205, %parallel_loop3A_312 = %get3A_209, %parallel_loop3A_313 = %get3A_213, %parallel_loop3A_314 = %get3A_217) -> (vector<16xf32>, vector<16xf32>, vector<16xf32>, vector<16xf32>, vector<16xf32>, vector<16xf32>, vector<16xf32>, vector<16xf32>, vector<16xf32>, vector<16xf32>, vector<16xf32>, vector<16xf32>, vector<16xf32>, vector<16xf32>, vector<16xf32>, vector<16xf32>)  : i32 {
          %parallel_loop3A_315 = arith.index_cast %parallel_loop3A_298 : i32 to index
          %parallel_loop3A_316 = arith.constant 0 : index
          %parallel_loop3A_317 = tpu.vector_load %arg7[%parallel_loop3A_315, %parallel_loop3A_316] {strides = array<i32>} : memref<512x128xf32, #tpu.memory_space<vmem>>, vector<1x16xf32>,
          %parallel_loop3A_318 = vector.shape_cast %parallel_loop3A_317 : vector<1x16xf32> to vector<16xf32>
          %parallel_loop3A_319 = arith.index_cast %parallel_loop3A_298 : i32 to index
          %parallel_loop3A_320 = arith.constant 16 : index
          %parallel_loop3A_321 = tpu.vector_load %arg7[%parallel_loop3A_319, %parallel_loop3A_320] {strides = array<i32>} : memref<512x128xf32, #tpu.memory_space<vmem>>, vector<1x16xf32>,
          %parallel_loop3A_322 = vector.shape_cast %parallel_loop3A_321 : vector<1x16xf32> to vector<16xf32>
          %parallel_loop3A_323 = arith.index_cast %parallel_loop3A_298 : i32 to index
          %parallel_loop3A_324 = arith.constant 32 : index
          %parallel_loop3A_325 = tpu.vector_load %arg7[%parallel_loop3A_323, %parallel_loop3A_324] {strides = array<i32>} : memref<512x128xf32, #tpu.memory_space<vmem>>, vector<1x16xf32>,
          %parallel_loop3A_326 = vector.shape_cast %parallel_loop3A_325 : vector<1x16xf32> to vector<16xf32>
          %parallel_loop3A_327 = arith.index_cast %parallel_loop3A_298 : i32 to index
          %parallel_loop3A_328 = arith.constant 48 : index
          %parallel_loop3A_329 = tpu.vector_load %arg7[%parallel_loop3A_327, %parallel_loop3A_328] {strides = array<i32>} : memref<512x128xf32, #tpu.memory_space<vmem>>, vector<1x16xf32>,
          %parallel_loop3A_330 = vector.shape_cast %parallel_loop3A_329 : vector<1x16xf32> to vector<16xf32>
          %parallel_loop3A_331 = arith.index_cast %parallel_loop3A_298 : i32 to index
          %parallel_loop3A_332 = arith.constant 64 : index
          %parallel_loop3A_333 = tpu.vector_load %arg7[%parallel_loop3A_331, %parallel_loop3A_332] {strides = array<i32>} : memref<512x128xf32, #tpu.memory_space<vmem>>, vector<1x16xf32>,
          %parallel_loop3A_334 = vector.shape_cast %parallel_loop3A_333 : vector<1x16xf32> to vector<16xf32>
          %parallel_loop3A_335 = arith.index_cast %parallel_loop3A_298 : i32 to index
          %parallel_loop3A_336 = arith.constant 80 : index
          %parallel_loop3A_337 = tpu.vector_load %arg7[%parallel_loop3A_335, %parallel_loop3A_336] {strides = array<i32>} : memref<512x128xf32, #tpu.memory_space<vmem>>, vector<1x16xf32>,
          %parallel_loop3A_338 = vector.shape_cast %parallel_loop3A_337 : vector<1x16xf32> to vector<16xf32>
          %parallel_loop3A_339 = arith.index_cast %parallel_loop3A_298 : i32 to index
          %parallel_loop3A_340 = arith.constant 96 : index
          %parallel_loop3A_341 = tpu.vector_load %arg7[%parallel_loop3A_339, %parallel_loop3A_340] {strides = array<i32>} : memref<512x128xf32, #tpu.memory_space<vmem>>, vector<1x16xf32>,
          %parallel_loop3A_342 = vector.shape_cast %parallel_loop3A_341 : vector<1x16xf32> to vector<16xf32>
          %parallel_loop3A_343 = arith.index_cast %parallel_loop3A_298 : i32 to index
          %parallel_loop3A_344 = arith.constant 112 : index
          %parallel_loop3A_345 = tpu.vector_load %arg7[%parallel_loop3A_343, %parallel_loop3A_344] {strides = array<i32>} : memref<512x128xf32, #tpu.memory_space<vmem>>, vector<1x16xf32>,
          %parallel_loop3A_346 = vector.shape_cast %parallel_loop3A_345 : vector<1x16xf32> to vector<16xf32>
          %parallel_loop3A_347 = arith.addf %parallel_loop3A_299, %parallel_loop3A_318 : vector<16xf32>
          %parallel_loop3A_348 = arith.addf %parallel_loop3A_300, %parallel_loop3A_322 : vector<16xf32>
          %parallel_loop3A_349 = arith.addf %parallel_loop3A_301, %parallel_loop3A_326 : vector<16xf32>
          %parallel_loop3A_350 = arith.addf %parallel_loop3A_302, %parallel_loop3A_330 : vector<16xf32>
          %parallel_loop3A_351 = arith.addf %parallel_loop3A_303, %parallel_loop3A_334 : vector<16xf32>
          %parallel_loop3A_352 = arith.addf %parallel_loop3A_304, %parallel_loop3A_338 : vector<16xf32>
          %parallel_loop3A_353 = arith.addf %parallel_loop3A_305, %parallel_loop3A_342 : vector<16xf32>
          %parallel_loop3A_354 = arith.addf %parallel_loop3A_306, %parallel_loop3A_346 : vector<16xf32>
          %parallel_loop3A_355 = arith.maximumf %parallel_loop3A_307, %parallel_loop3A_318 : vector<16xf32>
          %parallel_loop3A_356 = arith.maximumf %parallel_loop3A_308, %parallel_loop3A_322 : vector<16xf32>
          %parallel_loop3A_357 = arith.maximumf %parallel_loop3A_309, %parallel_loop3A_326 : vector<16xf32>
          %parallel_loop3A_358 = arith.maximumf %parallel_loop3A_310, %parallel_loop3A_330 : vector<16xf32>
          %parallel_loop3A_359 = arith.maximumf %parallel_loop3A_311, %parallel_loop3A_334 : vector<16xf32>
          %parallel_loop3A_360 = arith.maximumf %parallel_loop3A_312, %parallel_loop3A_338 : vector<16xf32>
          %parallel_loop3A_361 = arith.maximumf %parallel_loop3A_313, %parallel_loop3A_342 : vector<16xf32>
          %parallel_loop3A_362 = arith.maximumf %parallel_loop3A_314, %parallel_loop3A_346 : vector<16xf32>
          scf.yield %parallel_loop3A_347, %parallel_loop3A_348, %parallel_loop3A_349, %parallel_loop3A_350, %parallel_loop3A_351, %parallel_loop3A_352, %parallel_loop3A_353, %parallel_loop3A_354, %parallel_loop3A_355, %parallel_loop3A_356, %parallel_loop3A_357, %parallel_loop3A_358, %parallel_loop3A_359, %parallel_loop3A_360, %parallel_loop3A_361, %parallel_loop3A_362 : vector<16xf32>, vector<16xf32>, vector<16xf32>, vector<16xf32>, vector<16xf32>, vector<16xf32>, vector<16xf32>, vector<16xf32>, vector<16xf32>, vector<16xf32>, vector<16xf32>, vector<16xf32>, vector<16xf32>, vector<16xf32>, vector<16xf32>, vector<16xf32>
        } {sc.loop_unroll_factor = 8 : i64, sc.parallel_access}
        %swap3A = arith.index_cast %add3A_137 : i32 to index
        %swap3A_219 = arith.constant 0 : index
        %swap3A_220 = tpu.vector_load %arg9[%swap3A, %swap3A_219] {strides = array<i32>} : memref<64x128xf32, #tpu.memory_space<vmem>>, vector<1x16xf32>,
        %swap3A_221 = vector.shape_cast %swap3A_220 : vector<1x16xf32> to vector<16xf32>
        %swap3A_222 = vector.shape_cast %parallel_loop3A_218#0 : vector<16xf32> to vector<1x16xf32>
        tpu.vector_store %arg9[%swap3A, %swap3A_219], %swap3A_222 {strides = array<i32>} : memref<64x128xf32, #tpu.memory_space<vmem>>, vector<1x16xf32>,
        %swap3A_223 = arith.index_cast %add3A_137 : i32 to index
        %swap3A_224 = arith.constant 0 : index
        %swap3A_225 = tpu.vector_load %arg10[%swap3A_223, %swap3A_224] {strides = array<i32>} : memref<64x128xf32, #tpu.memory_space<vmem>>, vector<1x16xf32>,
        %swap3A_226 = vector.shape_cast %swap3A_225 : vector<1x16xf32> to vector<16xf32>
        %swap3A_227 = vector.shape_cast %parallel_loop3A_218#8 : vector<16xf32> to vector<1x16xf32>
        tpu.vector_store %arg10[%swap3A_223, %swap3A_224], %swap3A_227 {strides = array<i32>} : memref<64x128xf32, #tpu.memory_space<vmem>>, vector<1x16xf32>,
        %swap3A_228 = arith.index_cast %add3A_137 : i32 to index
        %swap3A_229 = arith.constant 16 : index
        %swap3A_230 = tpu.vector_load %arg9[%swap3A_228, %swap3A_229] {strides = array<i32>} : memref<64x128xf32, #tpu.memory_space<vmem>>, vector<1x16xf32>,
        %swap3A_231 = vector.shape_cast %swap3A_230 : vector<1x16xf32> to vector<16xf32>
        %swap3A_232 = vector.shape_cast %parallel_loop3A_218#1 : vector<16xf32> to vector<1x16xf32>
        tpu.vector_store %arg9[%swap3A_228, %swap3A_229], %swap3A_232 {strides = array<i32>} : memref<64x128xf32, #tpu.memory_space<vmem>>, vector<1x16xf32>,
        %swap3A_233 = arith.index_cast %add3A_137 : i32 to index
        %swap3A_234 = arith.constant 16 : index
        %swap3A_235 = tpu.vector_load %arg10[%swap3A_233, %swap3A_234] {strides = array<i32>} : memref<64x128xf32, #tpu.memory_space<vmem>>, vector<1x16xf32>,
        %swap3A_236 = vector.shape_cast %swap3A_235 : vector<1x16xf32> to vector<16xf32>
        %swap3A_237 = vector.shape_cast %parallel_loop3A_218#9 : vector<16xf32> to vector<1x16xf32>
        tpu.vector_store %arg10[%swap3A_233, %swap3A_234], %swap3A_237 {strides = array<i32>} : memref<64x128xf32, #tpu.memory_space<vmem>>, vector<1x16xf32>,
        %swap3A_238 = arith.index_cast %add3A_137 : i32 to index
        %swap3A_239 = arith.constant 32 : index
        %swap3A_240 = tpu.vector_load %arg9[%swap3A_238, %swap3A_239] {strides = array<i32>} : memref<64x128xf32, #tpu.memory_space<vmem>>, vector<1x16xf32>,
        %swap3A_241 = vector.shape_cast %swap3A_240 : vector<1x16xf32> to vector<16xf32>
        %swap3A_242 = vector.shape_cast %parallel_loop3A_218#2 : vector<16xf32> to vector<1x16xf32>
        tpu.vector_store %arg9[%swap3A_238, %swap3A_239], %swap3A_242 {strides = array<i32>} : memref<64x128xf32, #tpu.memory_space<vmem>>, vector<1x16xf32>,
        %swap3A_243 = arith.index_cast %add3A_137 : i32 to index
        %swap3A_244 = arith.constant 32 : index
        %swap3A_245 = tpu.vector_load %arg10[%swap3A_243, %swap3A_244] {strides = array<i32>} : memref<64x128xf32, #tpu.memory_space<vmem>>, vector<1x16xf32>,
        %swap3A_246 = vector.shape_cast %swap3A_245 : vector<1x16xf32> to vector<16xf32>
        %swap3A_247 = vector.shape_cast %parallel_loop3A_218#10 : vector<16xf32> to vector<1x16xf32>
        tpu.vector_store %arg10[%swap3A_243, %swap3A_244], %swap3A_247 {strides = array<i32>} : memref<64x128xf32, #tpu.memory_space<vmem>>, vector<1x16xf32>,
        %swap3A_248 = arith.index_cast %add3A_137 : i32 to index
        %swap3A_249 = arith.constant 48 : index
        %swap3A_250 = tpu.vector_load %arg9[%swap3A_248, %swap3A_249] {strides = array<i32>} : memref<64x128xf32, #tpu.memory_space<vmem>>, vector<1x16xf32>,
        %swap3A_251 = vector.shape_cast %swap3A_250 : vector<1x16xf32> to vector<16xf32>
        %swap3A_252 = vector.shape_cast %parallel_loop3A_218#3 : vector<16xf32> to vector<1x16xf32>
        tpu.vector_store %arg9[%swap3A_248, %swap3A_249], %swap3A_252 {strides = array<i32>} : memref<64x128xf32, #tpu.memory_space<vmem>>, vector<1x16xf32>,
        %swap3A_253 = arith.index_cast %add3A_137 : i32 to index
        %swap3A_254 = arith.constant 48 : index
        %swap3A_255 = tpu.vector_load %arg10[%swap3A_253, %swap3A_254] {strides = array<i32>} : memref<64x128xf32, #tpu.memory_space<vmem>>, vector<1x16xf32>,
        %swap3A_256 = vector.shape_cast %swap3A_255 : vector<1x16xf32> to vector<16xf32>
        %swap3A_257 = vector.shape_cast %parallel_loop3A_218#11 : vector<16xf32> to vector<1x16xf32>
        tpu.vector_store %arg10[%swap3A_253, %swap3A_254], %swap3A_257 {strides = array<i32>} : memref<64x128xf32, #tpu.memory_space<vmem>>, vector<1x16xf32>,
        %swap3A_258 = arith.index_cast %add3A_137 : i32 to index
        %swap3A_259 = arith.constant 64 : index
        %swap3A_260 = tpu.vector_load %arg9[%swap3A_258, %swap3A_259] {strides = array<i32>} : memref<64x128xf32, #tpu.memory_space<vmem>>, vector<1x16xf32>,
        %swap3A_261 = vector.shape_cast %swap3A_260 : vector<1x16xf32> to vector<16xf32>
        %swap3A_262 = vector.shape_cast %parallel_loop3A_218#4 : vector<16xf32> to vector<1x16xf32>
        tpu.vector_store %arg9[%swap3A_258, %swap3A_259], %swap3A_262 {strides = array<i32>} : memref<64x128xf32, #tpu.memory_space<vmem>>, vector<1x16xf32>,
        %swap3A_263 = arith.index_cast %add3A_137 : i32 to index
        %swap3A_264 = arith.constant 64 : index
        %swap3A_265 = tpu.vector_load %arg10[%swap3A_263, %swap3A_264] {strides = array<i32>} : memref<64x128xf32, #tpu.memory_space<vmem>>, vector<1x16xf32>,
        %swap3A_266 = vector.shape_cast %swap3A_265 : vector<1x16xf32> to vector<16xf32>
        %swap3A_267 = vector.shape_cast %parallel_loop3A_218#12 : vector<16xf32> to vector<1x16xf32>
        tpu.vector_store %arg10[%swap3A_263, %swap3A_264], %swap3A_267 {strides = array<i32>} : memref<64x128xf32, #tpu.memory_space<vmem>>, vector<1x16xf32>,
        %swap3A_268 = arith.index_cast %add3A_137 : i32 to index
        %swap3A_269 = arith.constant 80 : index
        %swap3A_270 = tpu.vector_load %arg9[%swap3A_268, %swap3A_269] {strides = array<i32>} : memref<64x128xf32, #tpu.memory_space<vmem>>, vector<1x16xf32>,
        %swap3A_271 = vector.shape_cast %swap3A_270 : vector<1x16xf32> to vector<16xf32>
        %swap3A_272 = vector.shape_cast %parallel_loop3A_218#5 : vector<16xf32> to vector<1x16xf32>
        tpu.vector_store %arg9[%swap3A_268, %swap3A_269], %swap3A_272 {strides = array<i32>} : memref<64x128xf32, #tpu.memory_space<vmem>>, vector<1x16xf32>,
        %swap3A_273 = arith.index_cast %add3A_137 : i32 to index
        %swap3A_274 = arith.constant 80 : index
        %swap3A_275 = tpu.vector_load %arg10[%swap3A_273, %swap3A_274] {strides = array<i32>} : memref<64x128xf32, #tpu.memory_space<vmem>>, vector<1x16xf32>,
        %swap3A_276 = vector.shape_cast %swap3A_275 : vector<1x16xf32> to vector<16xf32>
        %swap3A_277 = vector.shape_cast %parallel_loop3A_218#13 : vector<16xf32> to vector<1x16xf32>
        tpu.vector_store %arg10[%swap3A_273, %swap3A_274], %swap3A_277 {strides = array<i32>} : memref<64x128xf32, #tpu.memory_space<vmem>>, vector<1x16xf32>,
        %swap3A_278 = arith.index_cast %add3A_137 : i32 to index
        %swap3A_279 = arith.constant 96 : index
        %swap3A_280 = tpu.vector_load %arg9[%swap3A_278, %swap3A_279] {strides = array<i32>} : memref<64x128xf32, #tpu.memory_space<vmem>>, vector<1x16xf32>,
        %swap3A_281 = vector.shape_cast %swap3A_280 : vector<1x16xf32> to vector<16xf32>
        %swap3A_282 = vector.shape_cast %parallel_loop3A_218#6 : vector<16xf32> to vector<1x16xf32>
        tpu.vector_store %arg9[%swap3A_278, %swap3A_279], %swap3A_282 {strides = array<i32>} : memref<64x128xf32, #tpu.memory_space<vmem>>, vector<1x16xf32>,
        %swap3A_283 = arith.index_cast %add3A_137 : i32 to index
        %swap3A_284 = arith.constant 96 : index
        %swap3A_285 = tpu.vector_load %arg10[%swap3A_283, %swap3A_284] {strides = array<i32>} : memref<64x128xf32, #tpu.memory_space<vmem>>, vector<1x16xf32>,
        %swap3A_286 = vector.shape_cast %swap3A_285 : vector<1x16xf32> to vector<16xf32>
        %swap3A_287 = vector.shape_cast %parallel_loop3A_218#14 : vector<16xf32> to vector<1x16xf32>
        tpu.vector_store %arg10[%swap3A_283, %swap3A_284], %swap3A_287 {strides = array<i32>} : memref<64x128xf32, #tpu.memory_space<vmem>>, vector<1x16xf32>,
        %swap3A_288 = arith.index_cast %add3A_137 : i32 to index
        %swap3A_289 = arith.constant 112 : index
        %swap3A_290 = tpu.vector_load %arg9[%swap3A_288, %swap3A_289] {strides = array<i32>} : memref<64x128xf32, #tpu.memory_space<vmem>>, vector<1x16xf32>,
        %swap3A_291 = vector.shape_cast %swap3A_290 : vector<1x16xf32> to vector<16xf32>
        %swap3A_292 = vector.shape_cast %parallel_loop3A_218#7 : vector<16xf32> to vector<1x16xf32>
        tpu.vector_store %arg9[%swap3A_288, %swap3A_289], %swap3A_292 {strides = array<i32>} : memref<64x128xf32, #tpu.memory_space<vmem>>, vector<1x16xf32>,
        %swap3A_293 = arith.index_cast %add3A_137 : i32 to index
        %swap3A_294 = arith.constant 112 : index
        %swap3A_295 = tpu.vector_load %arg10[%swap3A_293, %swap3A_294] {strides = array<i32>} : memref<64x128xf32, #tpu.memory_space<vmem>>, vector<1x16xf32>,
        %swap3A_296 = vector.shape_cast %swap3A_295 : vector<1x16xf32> to vector<16xf32>
        %swap3A_297 = vector.shape_cast %parallel_loop3A_218#15 : vector<16xf32> to vector<1x16xf32>
        tpu.vector_store %arg10[%swap3A_293, %swap3A_294], %swap3A_297 {strides = array<i32>} : memref<64x128xf32, #tpu.memory_space<vmem>>, vector<1x16xf32>,
      }
      %max3A_134 = arith.maxsi %min3A_114, %while3A_88 : i32
      scf.yield %max3A_134 : i32
    }
    "tpu.region"() ({
      %run_scoped3A = tpu.sem_alloc : memref<!tpu.dma_semaphore, #tpu.memory_space<semaphore_mem>>
      %dma_start3A = arith.constant 0 : i32
      %dma_start3A_87 = tpu.memref_slice %arg5[%mul3A_2, %dma_start3A] : memref<2048x128xf32, #tpu.memory_space<hbm>> -> memref<64x128xf32, #tpu.memory_space<hbm>>
      %dma_start3A_88 = arith.constant 0 : i32
      %dma_start3A_89 = tpu.memref_slice %arg5[%mul3A_2, %dma_start3A_88] : memref<2048x128xf32, #tpu.memory_space<hbm>> -> memref<64x128xf32, #tpu.memory_space<hbm>>
      tpu.enqueue_dma source(%arg9 : memref<64x128xf32, #tpu.memory_space<vmem>>) target(%dma_start3A_89 : memref<64x128xf32, #tpu.memory_space<hbm>>) target_semaphore(%run_scoped3A : memref<!tpu.dma_semaphore, #tpu.memory_space<semaphore_mem>>)
      %dma_wait3A = arith.constant 0 : i32
      %dma_wait3A_90 = tpu.memref_slice %arg5[%mul3A_2, %dma_wait3A] : memref<2048x128xf32, #tpu.memory_space<hbm>> -> memref<64x128xf32, #tpu.memory_space<hbm>>
      %dma_wait3A_91 = arith.constant 0 : i32
      %dma_wait3A_92 = tpu.memref_slice %arg5[%mul3A_2, %dma_wait3A_91] : memref<2048x128xf32, #tpu.memory_space<hbm>> -> memref<64x128xf32, #tpu.memory_space<hbm>>
      tpu.wait_dma2 semaphore(%run_scoped3A : memref<!tpu.dma_semaphore, #tpu.memory_space<semaphore_mem>>) src(%arg9 : memref<64x128xf32, #tpu.memory_space<vmem>>) dst(%dma_wait3A_92 : memref<64x128xf32, #tpu.memory_space<hbm>>)
      tpu.yield
    }) : () -> ()
    "tpu.region"() ({
      %run_scoped3A = tpu.sem_alloc : memref<!tpu.dma_semaphore, #tpu.memory_space<semaphore_mem>>
      %dma_start3A = arith.constant 0 : i32
      %dma_start3A_87 = tpu.memref_slice %arg6[%mul3A_2, %dma_start3A] : memref<2048x128xf32, #tpu.memory_space<hbm>> -> memref<64x128xf32, #tpu.memory_space<hbm>>
      %dma_start3A_88 = arith.constant 0 : i32
      %dma_start3A_89 = tpu.memref_slice %arg6[%mul3A_2, %dma_start3A_88] : memref<2048x128xf32, #tpu.memory_space<hbm>> -> memref<64x128xf32, #tpu.memory_space<hbm>>
      tpu.enqueue_dma source(%arg10 : memref<64x128xf32, #tpu.memory_space<vmem>>) target(%dma_start3A_89 : memref<64x128xf32, #tpu.memory_space<hbm>>) target_semaphore(%run_scoped3A : memref<!tpu.dma_semaphore, #tpu.memory_space<semaphore_mem>>)
      %dma_wait3A = arith.constant 0 : i32
      %dma_wait3A_90 = tpu.memref_slice %arg6[%mul3A_2, %dma_wait3A] : memref<2048x128xf32, #tpu.memory_space<hbm>> -> memref<64x128xf32, #tpu.memory_space<hbm>>
      %dma_wait3A_91 = arith.constant 0 : i32
      %dma_wait3A_92 = tpu.memref_slice %arg6[%mul3A_2, %dma_wait3A_91] : memref<2048x128xf32, #tpu.memory_space<hbm>> -> memref<64x128xf32, #tpu.memory_space<hbm>>
      tpu.wait_dma2 semaphore(%run_scoped3A : memref<!tpu.dma_semaphore, #tpu.memory_space<semaphore_mem>>) src(%arg10 : memref<64x128xf32, #tpu.memory_space<vmem>>) dst(%dma_wait3A_92 : memref<64x128xf32, #tpu.memory_space<hbm>>)
      tpu.yield
    }) : () -> ()
    return
  }
}

module attributes {stable_mosaic.version = 14 : i64} {
  func.func @body(%arg0: memref<2048x128xf32, #tpu.memory_space<vmem>>, %arg1: memref<2048x128xf32, #tpu.memory_space<vmem>>, %arg2: memref<256x128xf32, #tpu.memory_space<vmem>>, %arg3: memref<1x128xf32, #tpu.memory_space<vmem>>, %arg4: memref<2048x128xf32, #tpu.memory_space<vmem>>) attributes {dimension_semantics = [], scalar_prefetch = 0 : i64, scratch_operands = 0 : i64, tpu.core_type = #tpu.core_type<tc>} {
    %get3A = arith.constant 0 : index
    %get3A_0 = arith.constant 0 : index
    %get3A_1 = vector.load %arg0[%get3A, %get3A_0] : memref<2048x128xf32, #tpu.memory_space<vmem>>, vector<2048x128xf32>
    %is_finite3A = tpu.weird %get3A_1 : vector<2048x128xf32> -> vector<2048x128xi1>
    %is_finite3A_2 = arith.constant dense<true> : vector<2048x128xi1>
    %is_finite3A_3 = arith.xori %is_finite3A, %is_finite3A_2 : vector<2048x128xi1>
    %jit3A = arith.constant 0.000000e+00 : f32
    %broadcast_in_dim3A = vector.broadcast %jit3A : f32 to vector<2048x128xf32>
    %select_n3A = arith.select %is_finite3A_3, %get3A_1, %broadcast_in_dim3A : vector<2048x128xi1>, vector<2048x128xf32>
    %get3A_4 = arith.constant 0 : index
    %get3A_5 = arith.constant 0 : index
    %get3A_6 = vector.load %arg2[%get3A_4, %get3A_5] : memref<256x128xf32, #tpu.memory_space<vmem>>, vector<128x128xf32>
    %dot_general3A = arith.constant dense<0.000000e+00> : vector<2048x128xf32>
    %dot_general3A_7 = tpu.matmul %select_n3A, %get3A_6, %dot_general3A {dimension_numbers = #tpu.dot_dimension_numbers<[1], [0], [0], [1], [0, 0, 1, 1], [], []>, transpose_lhs_hint = false} : vector<2048x128xf32>, vector<128x128xf32>, vector<2048x128xf32> -> vector<2048x128xf32>
    %get3A_8 = arith.constant 0 : index
    %get3A_9 = arith.constant 0 : index
    %get3A_10 = vector.load %arg1[%get3A_8, %get3A_9] : memref<2048x128xf32, #tpu.memory_space<vmem>>, vector<2048x128xf32>
    %get3A_11 = arith.constant 128 : index
    %get3A_12 = arith.constant 0 : index
    %get3A_13 = vector.load %arg2[%get3A_11, %get3A_12] : memref<256x128xf32, #tpu.memory_space<vmem>>, vector<128x128xf32>
    %dot_general3A_14 = arith.constant dense<0.000000e+00> : vector<2048x128xf32>
    %dot_general3A_15 = tpu.matmul %get3A_10, %get3A_13, %dot_general3A_14 {dimension_numbers = #tpu.dot_dimension_numbers<[1], [0], [0], [1], [0, 0, 1, 1], [], []>, transpose_lhs_hint = false} : vector<2048x128xf32>, vector<128x128xf32>, vector<2048x128xf32> -> vector<2048x128xf32>
    %add3A = arith.addf %dot_general3A_7, %dot_general3A_15 : vector<2048x128xf32>
    %get3A_16 = arith.constant 0 : index
    %get3A_17 = arith.constant 0 : index
    %get3A_18 = vector.load %arg3[%get3A_16, %get3A_17] : memref<1x128xf32, #tpu.memory_space<vmem>>, vector<1x128xf32>
    %add3A_19 = vector.broadcast %get3A_18 : vector<1x128xf32> to vector<2048x128xf32>
    %add3A_20 = arith.addf %add3A, %add3A_19 : vector<2048x128xf32>
    %swap3A = arith.constant 0 : index
    %swap3A_21 = arith.constant 0 : index
    %swap3A_22 = vector.load %arg4[%swap3A, %swap3A_21] : memref<2048x128xf32, #tpu.memory_space<vmem>>, vector<2048x128xf32>
    tpu.vector_store %arg4[%swap3A, %swap3A_21], %add3A_20 {strides = array<i32>} : memref<2048x128xf32, #tpu.memory_space<vmem>>, vector<2048x128xf32>,
    return
  }
}

</mosaic_0001>

<sc_bundles>
// kernel: kernel.4.cloned.1.call-start
scs
__scs_entry_jumppad:
0x0: {  	(pc) =	sbr.rel $0x88, $3  }
0x1: {  	(tag) =	ssettag $0x0;
	lr =	simm.s32 $0x1  }
0x2: {  	[smem:$0x3F9D] =	sst lr;
	_ =	strace $0xD0000000  }
0x3: {  	_ = 	snop  }
0x4: {  	_ = 	snop  }
0x5: {  	_ = 	snop  }
0x6: {  	_ = 	snop  }
0x7: {  	_ = 	snop  }
__scs_overlays_trampoline_lowered:
0x8: {  	[smem:$0x3FAC] =	sst s0  }
0x9: {  	[smem:$0x3FAD] =	sst s1  }
0xa: {  	[smem:$0x3FAE] =	sst s2  }
0xb: {  	[smem:$0x3FAF] =	sst s3  }
0xc: {  	[smem:$0x3FB0] =	sst s4  }
0xd: {  	[smem:$0x3FB1] =	sst s5  }
0xe: {  	[smem:$0x3FB2] =	sst s6  }
0xf: {  	[smem:$0x3FB3] =	sst s7  }
0x10: {  	[smem:$0x3FB4] =	sst s8  }
0x11: {  	[smem:$0x3FB5] =	sst s9;
	s0 =	simm.s32 @!p0 $0x0  }
0x12: {  	s1 =	sld [smem:$0x3F9B];
	s0 =	simm.s32 @p0 $0x1  }
0x13: {  	[smem:$0x3FB6] =	sst s0;
	s0 =	simm.s32 @!p1 $0x0  }
0x14: {  	s2 =	sld [smem:$0x3F9A];
	s0 =	simm.s32 @p1 $0x1  }
0x15: {  	[smem:$0x3FB7] =	sst s0;
	s0 =	simm.s32 @!p2 $0x0  }
0x16: {  	s3 =	sld [smem:$0x3FDB];
	s0 =	simm.s32 @p2 $0x1  }
0x17: {  	s4 =	simm.s32 $0x1BF5;
	[smem:$0x3FB9] =	sst s0  }
0x18: {  	s0 =	sld [smem:$0x3F9C];
	_ =	swait.ge [sflag:s4], $0x0  }
0x19: {  	s7 =	sld [smem:$0x3F9D]  }
0x1a: {  	s8 =	sadd.s32 $0xFFFFE003, lr  }
0x1b: {  	s9 =	sadd.s32 $0xFFFFFEF7, lr;
	s5 =	simm.s32 $0xFFFFFFFF;
	p2 =	slt.u32 s8, $0xFFFFF086  }
0x1c: {  	p1 =	slt.u32 s9, $0xF7A;
	s5 =	simm.s32 @!p2 $0x0  }
0x1d: {  	s5 =	simm.s32 @p1 $0x1;
	p0 =	seq.s32 s7, s2  }
0x1e: {  	s7 =	smul.u32 @!p0 $0xF7A, s2;
	p2 =	seq.s32 @!p0 s5, $0x0  }
0x1f: {  	s9 =	smul.u32 $0xF7A, s1;
	s8 =	simm.s32 @!p0 $0x1BF5;
	p2 =	por !p2, p0  }
0x20: {  	[sflag:s8] =	ssyncset.s32 @!p0 $0xFFFFF086;
	s6 =	sadd.s32 @!p0 s3, s7;
	s7 =	simm.s32 @!p0 $0x108  }
0x21: {  	s3 =	sadd.s32 s3, s9;
	s6 =	sadd.s32 @!p0 $0x88, s6;
	s7 =	simm.s32 @p2 $0x1082  }
0x22: {  	[simem:s7], [sflag:s8] =	dma.local @!p0 [hbm:s6], $0xF7A  }
0x23: {  	s9 =	sor.u32 $0xD0000000, s2;
	s6 =	simm.s32 $0x108;
	_ =	swait.ge @!p0 [sflag:s8], $0x0  }
0x24: {  	s3 =	sadd.s32 $0x88, s3;
	s6 =	simm.s32 @!p1 $0x1082;
	[sflag:s4] =	ssyncset.s32 $0xFFFFF086  }
0x25: {  	[simem:s6], [sflag:s4] =	dma.local [hbm:s3], $0xF7A  }
0x26: {  	[smem:$0x3F9D] =	sst s1;
	(tag) =	ssettag s2;
	_ =	strace s9  }
0x27: {  	s1 =	sld [smem:$0x3FAD]  }
0x28: {  	s2 =	sld [smem:$0x3FAE]  }
0x29: {  	s4 =	sld [smem:$0x3FB0]  }
0x2a: {  	p0 =	seq.s32 s5, $0x0;
	s5 =	sld [smem:$0x3FB1]  }
0x2b: {  	s6 =	sld [smem:$0x3FB2]  }
0x2c: {  	s7 =	sld [smem:$0x3FB3]  }
0x2d: {  	s3 =	simm.s32 $0x108;
	s8 =	sld [smem:$0x3FB4]  }
0x2e: {  	s3 =	simm.s32 @!p0 $0x1082;
	s9 =	sld [smem:$0x3FB5]  }
0x2f: {  	lr =	sadd.s32 s0, s3;
	s0 =	sld [smem:$0x3FAC]  }
0x30: {  	s3 =	sld [smem:$0x3FAF]  }
0x31: {  	[smem:$0x3FB8] =	sst s10  }
0x32: {  	s10 =	sld [smem:$0x3FB6];
	_ =	sdelay $0x3  }
0x33: {  	p0 =	seq.s32 s10, $0x1;
	s10 =	sld [smem:$0x3FB8];
	_ =	sdelay $0x3  }
0x34: {  	[smem:$0x3FB8] =	sst s10  }
0x35: {  	s10 =	sld [smem:$0x3FB7];
	_ =	sdelay $0x3  }
0x36: {  	p1 =	seq.s32 s10, $0x1;
	s10 =	sld [smem:$0x3FB8];
	_ =	sdelay $0x3  }
0x37: {  	[smem:$0x3FB8] =	sst s10  }
0x38: {  	s10 =	sld [smem:$0x3FB9]  }
0x39: {  	_ = 	snop;
	(pc) =	sbr.ind lr, $3  }
0x3a: {  	_ = 	snop  }
0x3b: {  	_ = 	snop  }
0x3c: {  	p2 =	seq.s32 s10, $0x1;
	s10 =	sld [smem:$0x3FB8]  }
0x3d: {  	_ =	shalt  }
0x3e: {  	_ =	shalt  }
0x3f: {  	_ =	shalt  }
0x40: {  	_ =	shalt  }
0x41: {  	_ =	shalt  }
0x42: {  	_ =	shalt  }
0x43: {  	_ =	shalt  }
0x44: {  	_ =	shalt  }
0x45: {  	_ =	shalt  }
0x46: {  	_ =	shalt  }
0x47: {  	_ =	shalt  }
0x48: {  	_ =	shalt  }
0x49: {  	_ =	shalt  }
0x4a: {  	_ =	shalt  }
0x4b: {  	_ =	shalt  }
0x4c: {  	_ =	shalt  }
0x4d: {  	_ =	shalt  }
0x4e: {  	_ =	shalt  }
0x4f: {  	_ =	shalt  }
0x50: {  	_ =	shalt  }
0x51: {  	_ =	shalt  }
0x52: {  	_ =	shalt  }
0x53: {  	_ =	shalt  }
0x54: {  	_ =	shalt  }
0x55: {  	_ =	shalt  }
0x56: {  	_ =	shalt  }
0x57: {  	_ =	shalt  }
0x58: {  	_ =	shalt  }
0x59: {  	_ =	shalt  }
0x5a: {  	_ =	shalt  }
0x5b: {  	_ =	shalt  }
0x5c: {  	_ =	shalt  }
0x5d: {  	_ =	shalt  }
0x5e: {  	_ =	shalt  }
0x5f: {  	_ =	shalt  }
0x60: {  	_ =	shalt  }
0x61: {  	_ =	shalt  }
0x62: {  	_ =	shalt  }
0x63: {  	_ =	shalt  }
0x64: {  	_ =	shalt  }
0x65: {  	_ =	shalt  }
0x66: {  	_ =	shalt  }
0x67: {  	_ =	shalt  }
0x68: {  	_ =	shalt  }
0x69: {  	_ =	shalt  }
0x6a: {  	_ =	shalt  }
0x6b: {  	_ =	shalt  }
0x6c: {  	_ =	shalt  }
0x6d: {  	_ =	shalt  }
0x6e: {  	_ =	shalt  }
0x6f: {  	_ =	shalt  }
0x70: {  	_ =	shalt  }
0x71: {  	_ =	shalt  }
0x72: {  	_ =	shalt  }
0x73: {  	_ =	shalt  }
0x74: {  	_ =	shalt  }
0x75: {  	_ =	shalt  }
0x76: {  	_ =	shalt  }
0x77: {  	_ =	shalt  }
0x78: {  	_ =	shalt  }
0x79: {  	_ =	shalt  }
0x7a: {  	_ =	shalt  }
0x7b: {  	_ =	shalt  }
0x7c: {  	_ =	shalt  }
0x7d: {  	_ =	shalt  }
0x7e: {  	_ =	shalt  }
0x7f: {  	_ =	shalt  }
0x80: {  	_ =	shalt  }
0x81: {  	_ =	shalt  }
0x82: {  	_ =	shalt  }
0x83: {  	_ =	shalt  }
0x84: {  	_ =	shalt  }
0x85: {  	_ =	shalt  }
0x86: {  	_ =	shalt  }
0x87: {  	_ =	shalt  }
.Lfunc_end0:
.L_simem_size_0:
called_computation_lowered:
.L_overlay_start_0:
0x88: {  	s2 =	sld [smem:$0x3FD9]  }
0x89: {  	s3 =	sld [smem:$0x3FFE];
	_ =	sdelay $0x1  }
0x8a: {  	s1 =	srdreg.scid  }
0x8b: {  	s0 =	sand.u32 $0x1, s1  }
0x8c: {  	s17 =	sshll.u32 s0, $0xA;
	s2 =	sadd.s32 s3, s2  }
0x8d: {  	s2 =	sadd.s32 s2, s17  }
0x8e: {  	[smem:$0x3FC4] =	sst s2  }
0x8f: {  	_ = 	snop  }
0x90: {  	s2 =	sld [smem:$0x3FC9]  }
0x91: {  	s18 =	sld [smem:$0x3FC8]  }
0x92: {  	s4 =	sld [smem:$0x3FD0];
	(tm) =	ssettm $0x1  }
0x93: {  	s5 =	sld [smem:$0x3FFB];
	_ =	sdelay $0x3  }
0x94: {  	_ =	strace s5  }
0x95: {  	s5 =	sld [smem:$0x3FFC];
	_ =	sdelay $0x3  }
0x96: {  	_ =	strace s5  }
0x97: {  	s5 =	sld [smem:$0x3FFD];
	_ =	sdelay $0x3  }
0x98: {  	_ =	strace s5  }
0x99: {  	_ =	strace $0x8FFFFFFF  }
0x9a: {  	s19 =	sld [smem:$0x3FDB];
	_ =	sdelay $0x1  }
0x9b: {  	s6 =	simm.s32 $_scs_section_size  }
0x9c: {  	s7 =	simm.s32 $_size__tile_overlayer_lowered;
	s8 =	simm.s32 $_tile_overlayer_lowered  }
0x9d: {  	s22 =	simm.s32 $0x1BFF;
	s21 =	sshll.u32 s8, $0x1;
	s5 =	sadd.s32 s6, s19  }
0x9e: {  	s9 =	simm.s32 $0x0;
	s20 =	sshll.u32 s7, $0x1;
	s7 =	sadd.s32 s21, s5  }
0x9f: {  	[timem:s9], [sflag:s22] =	dma.local [hbm:s7], s20  }
0xa0: {  	_ =	swait.ge [sflag:s22], s20  }
0xa1: {  	s6 =	ssub.s32 $0x0, s20;
	[sflag:s22] =	ssyncset.done $0x0  }
0xa2: {  	[sflag:s22] =	ssyncadd.s32 s6;
	_ =	sdelay $0x1  }
0xa3: {  	s23 =	simm.s32 $0x1B8B  }
0xa4: {  	_ =	swait.ge [sflag:s23], $0x1  }
0xa5: {  	[sflag:s23] =	ssyncset.done $0x0  }
0xa6: {  	s25 =	simm.s32 $0x1B8E;
	s24 =	sld [smem:$0x3FFE];
	[sflag:s23] =	ssyncadd.s32 $0xFFFFFFFF  }
0xa7: {  	s26 =	simm.s32 $execute0_lowered;
	[smem:$0x3FD2] =	sst s25  }
0xa8: {  	s7 =	sshll.u32 s26, $0x1;
	_ =	strace $0x80000046;
	[dreg:$0x1] =	wrdreg $0xFFFFFFFF  }
0xa9: {  	s28 =	simm.s32 $_size_execute0_lowered;
	s5 =	sadd.s32 s5, s7;
	[dreg:$0x0] =	wrdreg $0x0  }
0xaa: {  	s7 =	sshll.u32 s28, $0x1;
	[dreg:$0x2] =	wrdreg s5  }
0xab: {  	[dreg:$0x3] =	wrdreg s7  }
0xac: {  	[dreg:$0x4] =	wrdreg $0xC0  }
0xad: {  	_ =	task [dreg:s9], $0x5FFFF  }
0xae: {  	[dreg:$0x1] =	wrdreg $0xFFFFFFFF  }
0xaf: {  	[dreg:$0x0] =	wrdreg $0x60  }
0xb0: {  	[dreg:$0x2] =	wrdreg s2  }
0xb1: {  	[dreg:$0x3] =	wrdreg s18  }
0xb2: {  	[dreg:$0x4] =	wrdreg s24  }
0xb3: {  	[dreg:$0x5] =	wrdreg s4  }
0xb4: {  	[dreg:$0x6] =	wrdreg $0x9  }
0xb5: {  	_ =	task.clear_ibuf [dreg:s9], $0x7FFFF;
	_ =	strace $0x90000046  }
0xb6: {  	s29 =	simm.s32 $0x9;
	_ =	strace $0x80000048  }
0xb7: {  	_ =	swait.ge [sflag:s29], $0x1  }
0xb8: {  	[sflag:s29] =	ssyncadd.s32 $0xFFFFFFFF  }
0xb9: {  	_ =	strace $0x90000048  }
0xba: {  	_ =	sfence  }
0xbb: {  	s30 =	sld [smem:$0x0];
	_ =	sdelay $0x2  }
0xbc: {  	s31 =	sshll.u32 s1, $0xD;
	s1 =	sshrl.u32 s1, $0x2  }
0xbd: {  	s3 =	sand.u32 $0x4000, s31;
	s1 =	sadd.s32 s1, s30  }
0xbe: {  	s0 =	sor.u32 s3, s0;
	s1 =	sshll.u32 s1, $0x11  }
0xbf: {  	s0 =	sor.u32 s1, s0  }
0xc0: {  	s0 =	sadd.s32 $0x8F2B, s0  }
0xc1: {  	[sflag:s0] =	ssyncadd.remote.s32 $0x1  }
0xc2: {  	_ =	sfence.sel $0xFFFF  }
0xc3: {  	[dreg:$0x0] =	wrdreg $0xFFFFFFFF;
	(pc) =	sbr.abs _section_cstart, $3  }
0xc4: {  	[dreg:$0x1] =	wrdreg $0xFFFFFFFF  }
0xc5: {  	_ =	task.clear_ibuf [dreg:s9], $0x2FFFF;
	_ =	strace $0x9FFFFFFF  }
0xc6: {  	(tm) =	ssettm $0x7FFFFFFF  }
0xc7: {  	_ =	shalt  }
tec
execute0_lowered:
.L_overlay_start_1:
0x0: {  	(tag) =	ssettag $0x1  }
0x1: {  	s1 =	rddreg [dreg:$0x0]  }
0x2: {  	s2 =	rddreg [dreg:$0x1]  }
0x3: {  	s0 =	rddreg [dreg:$0x2]  }
0x4: {  	s3 =	rddreg [dreg:$0x3]  }
0x5: {  	s4 =	srdreg.scid;
	s5 =	stileid.u32;
	s11 =	simm.s32 $0x1  }
0x6: {  	s12 =	simm.s32 $0x10000;
	s15 =	simm.s32 $0x0;
	s20 =	simm.s32 $0x0  }
0x7: {  	s6 =	sand.u32 $0x1, s4;
	s4 =	simm.s32 $0x0;
	s5 =	sshll.u32 s5, $0x7  }
0x8: {  	s7 =	sshll.u32 s6, $0x6;
	[smem:$0x7FF] =	sst s4;
	s6 =	ssub.s32 $0x2, s6  }
.Ltmp0:
0x9: {  	s5 =	sor.u32 s7, s5;
	_ =	strace $0x80000047;
	(pc) =	sbr.rel .LBB2_1-.Ltmp0, $4  }
0xa: {  	s9 =	sshrl.u32 s6, $0x1;
	s7 =	sshrl.u32 s5, $0x3;
	s8 =	sshll.u32 s5, $0x4  }
0xb: {  	s9 =	ssub.s32 s6, s9;
	s7 =	sadd.s32 s7, s0;
	s3 =	sadd.s32 s3, s8  }
0xc: {  	s0 =	sadd.s32 s8, s0;
	s31 =	sadd.s32 $0x1400, s7;
	[dreg:$0x6] =	wrdreg s3  }
0xd: {  	v0 =	vimm.f32 $0.0e+00;
	v1 =	vimm.f32 $-Inf;
	s9 =	smax.u32 s9, $0x1;
	s8 =	sadd.s32 $0x1600, s0;
	[dreg:$0x5] =	wrdreg s31  }
.LBB2_12:
0xe: {  	s0 =	rddreg [dreg:$0x6];
	s3 =	simm.s32 $0x10280  }
0xf: {  	[hbm4b:s0+s4] =	stream.linear.scatter [tilespmem:s3], [sflag:$0x1], $0x2000, $0x38;
	[tilespmem:$0x14300] =	vst v63  }
0x10: {  	s15 =	sadd.s32 $0x1, s15;
	_ =	swait.ge [sflag:s11], $0x2000  }
0x11: {  	p0 =	sne.s32 s15, s9;
	[sflag:s11] =	ssyncset.done $0x0  }
.Ltmp1:
0x12: {  	s31 =	simm.s32 $0x12280;
	[sflag:s11] =	ssyncadd.s32 $0xFFFFE000;
	(pc) =	sbr.rel @!p0 .LBB2_13-.Ltmp1, $4  }
0x13: {  	[hbm4b:s8+s4] =	stream.linear.scatter [tilespmem:s31], [sflag:$0x1], $0x2000, $0x38;
	[tilespmem:$0x14300] =	vst v63  }
0x14: {  	_ =	swait.ge [sflag:s11], $0x2000  }
0x15: {  	[sflag:s11] =	ssyncset.done $0x0  }
0x16: {  	[sflag:s11] =	ssyncadd.s32 $0xFFFFE000  }
.LBB2_1:
0x17: {  	s0 =	rddreg [dreg:$0x5];
	s3 =	simm.s32 $0x14280  }
0x18: {  	[tilespmem:s3], [sflag:$0x1] =	stream.linear.gather [hbm4b:s0+s4], $0x60, $0x38;
	[tilespmem:$0x14300] =	vst v63  }
0x19: {  	_ =	swait.ge [sflag:s11], $0x60  }
0x1a: {  	[sflag:s11] =	ssyncset.done $0x0  }
0x1b: {  	[sflag:s11] =	ssyncadd.s32 $0xFFFFFFA0  }
0x1c: {  	v2 =	vld [tilespmem:$0x14280]  }
0x1d: {  	s3 =	simm.s32 $0x40;
	s0 =	simm.s32 $0x0;
	v3 =	vld [tilespmem:$0x142C0]  }
.LBB2_2:
0x1e: {  	p0 =	sne.s32 s3, $0x7FC0;
	[tilespmem:s0+$0x10280] =	vst v0;
	s10 =	smov.u32 s3;
	s3 =	sadd.s32 $0x40, s3  }
.Ltmp2:
0x1f: {  	[tilespmem:s0+$0x12280] =	vst v1;
	(pc) =	sbr.rel @p0 .LBB2_2-.Ltmp2, $2  }
0x20: {  	_ =	sdelay $0x2  }
0x21: {  	s0 =	sshra.s32 s10, $0x2  }
0x22: {  	(v2sf) =	vpush v2, $0x0;
	_ =	sdelay $0x6  }
0x23: {  	(v2sf) =	vpush v3, $0x0;
	_ =	sdelay $0x7  }
0x24: {  	s16 =	spop (v2sf)  }
0x25: {  	s3 =	sand.u32 $0x7, s16  }
0x26: {  	s10 =	sshra.s32 s16, $0x1F;
	p0 =	slt.s32 s16, $0x1;
	p1 =	sne.s32 s3, $0x0  }
0x27: {  	s29 =	sshrl.u32 s10, $0x1D;
	p0 =	por !p0, !p1  }
0x28: {  	s10 =	simm.s32 $0x1;
	s3 =	sadd.s32 s29, s16;
	p0 =	por !p0, !p0  }
0x29: {  	s3 =	sshrl.u32 s3, $0x3;
	s10 =	simm.s32 @!p0 $0x0  }
0x2a: {  	s3 =	ssub.s32 s3, s10  }
0x2b: {  	s17 =	spop (v2sf);
	s18 =	sshll.u32 s3, $0x3  }
0x2c: {  	s3 =	ssub.s32 s17, s18  }
0x2d: {  	s3 =	sadd.s32 $0x1FF, s3  }
0x2e: {  	s30 =	sand.u32 $0x1FF, s3  }
0x2f: {  	s13 =	sshra.s32 s3, $0x1F;
	p5 =	slt.s32 s3, $0x1;
	p6 =	sne.s32 s30, $0x0  }
0x30: {  	s31 =	sshrl.u32 s13, $0x17;
	p0 =	por !p5, !p6  }
0x31: {  	s10 =	simm.s32 $0x1;
	s3 =	sadd.s32 s31, s3;
	p0 =	por !p0, !p0  }
0x32: {  	s3 =	sshra.s32 s3, $0x9;
	s10 =	simm.s32 @!p0 $0x0  }
0x33: {  	s19 =	ssub.s32 s3, s10  }
0x34: {  	p0 =	slt.s32 s19, $0x1  }
.Ltmp3:
0x35: {  	_ = 	snop;
	(pc) =	sbr.rel @!p0 .LBB2_4-.Ltmp3, $4  }
.Ltmp4:
0x36: {  	_ = 	snop;
	(pc) =	sbr.rel @p0 .LBB2_12-.Ltmp4, $4  }
0x37: {  	_ = 	snop  }
0x38: {  	[tilespmem:s0+$0x10280] =	vst v0  }
0x39: {  	[tilespmem:s0+$0x12280] =	vst v1;
	s22 =	simm.s32 $0x0;
	s23 =	simm.s32 $0x0;
	s21 =	smov.u32 s18  }
0x3a: {  	_ = 	snop  }
.LBB2_11:
0x3b: {  	s23 =	sadd.s32 $0x1, s23  }
0x3c: {  	p1 =	sne.s32 s23, s19  }
.Ltmp5:
0x3d: {  	_ = 	snop;
	(pc) =	sbr.rel @!p1 .LBB2_12-.Ltmp5, $3  }
0x3e: {  	_ =	sdelay $0x1  }
0x3f: {  	p0 =	sgt.s32 s26, s22  }
0x40: {  	s21 =	sadd.s32 $0x200, s21;
	s22 =	smov.u32 @p0 s26  }
.LBB2_4:
0x41: {  	s0 =	sshll.u32 s23, $0x9  }
0x42: {  	s0 =	sadd.s32 s18, s0  }
0x43: {  	p0 =	slt.s32 s0, $0x4E000;
	s24 =	smov.u32 s0  }
0x44: {  	s24 =	simm.s32 @!p0 $0x4E000  }
0x45: {  	s3 =	sshll.u32 s24, $0x4  }
0x46: {  	s3 =	sadd.s32 s1, s3  }
0x47: {  	[tilespmem:s20], [sflag:$0x1] =	stream.linear.gather [hbm4b:s3+s20], $0x10000, $0x38;
	[tilespmem:$0x14300] =	vst v63  }
0x48: {  	_ =	swait.ge [sflag:s11], $0x10000  }
0x49: {  	s30 =	sshrl.u32 s24, $0x3;
	[sflag:s11] =	ssyncset.done $0x0  }
0x4a: {  	s3 =	sadd.s32 s2, s30;
	[sflag:s11] =	ssyncadd.s32 $0xFFFF0000  }
0x4b: {  	[tilespmem:s12], [sflag:$0x1] =	stream.linear.gather [hbm4b:s3+s20], $0x200, $0x38;
	[tilespmem:$0x14300] =	vst v63  }
0x4c: {  	s3 =	sadd.s32 $0x200, s0  }
0x4d: {  	p0 =	slt.s32 s17, s3  }
0x4e: {  	s3 =	smov.u32 @p0 s17  }
0x4f: {  	s10 =	ssub.s32 s3, s24  }
0x50: {  	_ =	swait.ge [sflag:s11], $0x200;
	s3 =	sadd.s32 $0xFFFFFFFF, s10  }
0x51: {  	[sflag:s11] =	ssyncset.done $0x0;
	p0 =	sgt.s32 s3, $0x0  }
0x52: {  	[sflag:s11] =	ssyncadd.s32 $0xFFFFFE00;
	s3 =	simm.s32 @!p0 $0x0  }
0x53: {  	v2 =	vld [tilespmem:s3+$0x10000];
	_ =	sdelay $0x4  }
0x54: {  	(v2sf) =	vpush v2, $0x0;
	_ =	sdelay $0xe  }
0x55: {  	s31 =	spop (v2sf)  }
0x56: {  	s26 =	sadd.s32 $0xFFFFFFFF, s22;
	s3 =	ssub.s32 s31, s5  }
0x57: {  	p0 =	sgt.s32 s3, s26  }
0x58: {  	s26 =	smov.u32 @p0 s3  }
0x59: {  	p0 =	slt.s32 s26, $0x3F  }
0x5a: {  	s26 =	simm.s32 @!p0 $0x3F  }
0x5b: {  	s28 =	ssub.s32 s26, s22  }
0x5c: {  	p0 =	sgt.u32 s28, $0x7FFFFFFE  }
.Ltmp6:
0x5d: {  	_ = 	snop;
	(pc) =	sbr.rel @p0 .LBB2_11-.Ltmp6, $1  }
0x5e: {  	_ =	sdelay $0x3  }
.Ltmp7:
0x5f: {  	(pc) =	sbr.rel .LBB2_6-.Ltmp7, $4  }
0x60: {  	p0 =	slt.s32 s21, $0x4E000;
	s3 =	smov.u32 s21;
	s13 =	smov.u32 s21  }
0x61: {  	p1 =	sgt.s32 s16, s0;
	s3 =	simm.s32 @!p0 $0x4E000;
	p0 =	sgt.s32 s16, s21  }
0x62: {  	s0 =	smov.u32 @p1 s16;
	s29 =	ssub.s32 $0x0, s3;
	s13 =	smov.u32 @p0 s16  }
0x63: {  	v2 =	vmov s22;
	s31 =	ssub.s32 s0, s24;
	s0 =	simm.s32 $0x0;
	s30 =	ssub.s32 s13, s3  }
.LBB2_9:
0x64: {  	v7 =	vadd.f32 v21, v7  }
0x65: {  	v12 =	vmax.f32 v12, v21;
	v6 =	vadd.f32 v19, v6;
	v16 =	vmax.f32 v16, v19  }
0x66: {  	v5 =	vadd.f32 v20, v5;
	v17 =	vmax.f32 v17, v20;
	v4 =	vadd.f32 v22, v4  }
0x67: {  	v13 =	vmax.f32 v13, v22;
	v10 =	vadd.f32 v23, v10;
	v18 =	vmax.f32 v18, v23  }
.LBB2_10:
0x68: {  	[tilespmem:s3+$0x12280] =	vst v18  }
0x69: {  	s6 =	sor.u32 $0x10, s3;
	[tilespmem:s3+$0x10280] =	vst v10  }
0x6a: {  	[tilespmem:s6+$0x10280] =	vst v9  }
0x6b: {  	s7 =	sor.u32 $0x20, s3;
	[tilespmem:s6+$0x12280] =	vst v15  }
0x6c: {  	[tilespmem:s7+$0x10280] =	vst v8  }
0x6d: {  	s13 =	sor.u32 $0x30, s3;
	[tilespmem:s7+$0x12280] =	vst v14  }
0x6e: {  	[tilespmem:s13+$0x10280] =	vst v7  }
0x6f: {  	s14 =	sor.u32 $0x40, s3;
	[tilespmem:s13+$0x12280] =	vst v12  }
0x70: {  	[tilespmem:s14+$0x10280] =	vst v6  }
0x71: {  	s25 =	sor.u32 $0x50, s3;
	[tilespmem:s14+$0x12280] =	vst v16  }
0x72: {  	p0 =	sne.s32 s0, s28;
	[tilespmem:s25+$0x10280] =	vst v5  }
.Ltmp8:
0x73: {  	s13 =	sor.u32 $0x60, s3;
	[tilespmem:s25+$0x12280] =	vst v17;
	(pc) =	sbr.rel @!p0 .LBB2_11-.Ltmp8, $4  }
0x74: {  	[tilespmem:s13+$0x10280] =	vst v4  }
0x75: {  	s14 =	sor.u32 $0x70, s3;
	[tilespmem:s13+$0x12280] =	vst v13  }
0x76: {  	s25 =	sadd.s32 $0x1, s0;
	[tilespmem:s14+$0x10280] =	vst v3  }
0x77: {  	s0 =	smov.u32 s25;
	[tilespmem:s14+$0x12280] =	vst v11  }
.LBB2_6:
0x78: {  	_ =	sdelay $0x3  }
0x79: {  	v3 =	vld.idx.msk [tilespmem:v2+s0+$0x14280 ss:$0x1], $0xffff  }
0x7a: {  	v4 =	vld.idx.msk [tilespmem:v2+s0+$0x14281 ss:$0x1], $0xffff;
	_ =	sdelay $0x3  }
0x7b: {  	(v2sf) =	vpush v3, $0x0  }
0x7c: {  	(v2sf) =	vpush v4, $0x0;
	_ =	sdelay $0x6  }
0x7d: {  	s3 =	sadd.s32 s22, s0  }
0x7e: {  	s3 =	sshll.u32 s3, $0x7  }
0x7f: {  	v10 =	vld [tilespmem:s3+$0x10280]  }
0x80: {  	v9 =	vld [tilespmem:s3+$0x10290]  }
0x81: {  	v8 =	vld [tilespmem:s3+$0x102A0]  }
0x82: {  	v7 =	vld [tilespmem:s3+$0x102B0]  }
0x83: {  	v6 =	vld [tilespmem:s3+$0x102C0]  }
0x84: {  	v5 =	vld [tilespmem:s3+$0x102D0];
	s14 =	spop (v2sf)  }
0x85: {  	v18 =	vld [tilespmem:s3+$0x12280];
	s13 =	spop (v2sf)  }
0x86: {  	s25 =	smov.u32 s10;
	v15 =	vld [tilespmem:s3+$0x12290];
	s6 =	ssub.s32 s14, s24;
	s7 =	ssub.s32 s13, s24  }
0x87: {  	v14 =	vld [tilespmem:s3+$0x122A0];
	p0 =	sgt.s32 s6, s31;
	s13 =	smov.u32 s31;
	p1 =	slt.s32 s7, s10  }
0x88: {  	v12 =	vld [tilespmem:s3+$0x122B0];
	s13 =	smov.u32 @p0 s6;
	s25 =	smov.u32 @p1 s7  }
0x89: {  	v16 =	vld [tilespmem:s3+$0x122C0];
	p0 =	sge.s32 s13, s25  }
.Ltmp9:
0x8a: {  	v17 =	vld [tilespmem:s3+$0x122D0];
	(pc) =	sbr.rel @p0 .LBB2_10-.Ltmp9, $4  }
0x8b: {  	v13 =	vld [tilespmem:s3+$0x122E0]  }
0x8c: {  	v11 =	vld [tilespmem:s3+$0x122F0]  }
0x8d: {  	v4 =	vld [tilespmem:s3+$0x102E0]  }
0x8e: {  	v3 =	vld [tilespmem:s3+$0x102F0]  }
0x8f: {  	s6 =	sadd.s32 s14, s29  }
0x90: {  	s7 =	smov.u32 s30;
	p0 =	sgt.s32 s6, s30  }
0x91: {  	s7 =	smov.u32 @p0 s6  }
0x92: {  	s6 =	sshll.u32 s7, $0x9  }
0x93: {  	s6 =	sshra.s32 s6, $0x2  }
0x94: {  	s6 =	sor.u32 $0x40, s6  }
0x95: {  	v22 =	vld [tilespmem:s6+$0x30]  }
0x96: {  	v23 =	vld [tilespmem:s6+$0xFFFFFFD0]  }
0x97: {  	s13 =	sadd.s32 $0x1, s13;
	v24 =	vld [tilespmem:s6+$0xFFFFFFE0]  }
0x98: {  	p0 =	slt.s32 s13, s25;
	v21 =	vld [tilespmem:s6+$0xFFFFFFF0]  }
.Ltmp10:
0x99: {  	v19 =	vld [tilespmem:s6+$0x0];
	(pc) =	sbr.rel @!p0 .LBB2_9-.Ltmp10, $4  }
0x9a: {  	v20 =	vld [tilespmem:s6+$0x10]  }
0x9b: {  	v3 =	vadd.f32 v22, v3;
	v11 =	vmax.f32 v11, v22;
	v22 =	vld [tilespmem:s6+$0x20]  }
0x9c: {  	v9 =	vadd.f32 v23, v9;
	v15 =	vmax.f32 v15, v23;
	v23 =	vld [tilespmem:s6+$0xFFFFFFC0]  }
0x9d: {  	s14 =	sadd.s32 $0x80, s6;
	v8 =	vadd.f32 v24, v8;
	v14 =	vmax.f32 v14, v24  }
.LBB2_8:
0x9e: {  	v24 =	vld [tilespmem:s14+$0x30];
	s13 =	sadd.s32 $0x1, s13;
	v7 =	vadd.f32 v21, v7;
	v12 =	vmax.f32 v12, v21  }
0x9f: {  	v6 =	vadd.f32 v19, v6;
	v16 =	vmax.f32 v16, v19;
	v25 =	vld [tilespmem:s14+$0xFFFFFFD0];
	p0 =	slt.s32 s13, s25  }
0xa0: {  	v5 =	vadd.f32 v20, v5;
	v17 =	vmax.f32 v17, v20;
	v26 =	vld [tilespmem:s14+$0xFFFFFFE0]  }
.Ltmp11:
0xa1: {  	v4 =	vadd.f32 v22, v4;
	v13 =	vmax.f32 v13, v22;
	v21 =	vld [tilespmem:s14+$0xFFFFFFF0];
	(pc) =	sbr.rel @p0 .LBB2_8-.Ltmp11, $4  }
0xa2: {  	v10 =	vadd.f32 v23, v10;
	v18 =	vmax.f32 v18, v23;
	v19 =	vld [tilespmem:s14+$0x0]  }
0xa3: {  	v20 =	vld [tilespmem:s14+$0x10];
	v3 =	vadd.f32 v24, v3;
	v11 =	vmax.f32 v11, v24  }
0xa4: {  	v22 =	vld [tilespmem:s14+$0x20];
	v9 =	vadd.f32 v25, v9;
	v15 =	vmax.f32 v15, v25  }
0xa5: {  	v23 =	vld [tilespmem:s14+$0xFFFFFFC0];
	v8 =	vadd.f32 v26, v8;
	v14 =	vmax.f32 v14, v26;
	s14 =	sadd.s32 $0x80, s14  }
.Ltmp12:
0xa6: {  	_ = 	snop;
	(pc) =	sbr.rel .LBB2_9-.Ltmp12, $1  }
0xa7: {  	_ =	sdelay $0x3  }
.LBB2_13:
0xa8: {  	_ =	sfence.sel $0x180000  }
0xa9: {  	[bflag:$0x0] =	sbarrier.arrive $0xFFFF  }
0xaa: {  	_ =	strace $0x90000047  }
0xab: {  	s0 =	stileid.u32;
	[bflag:$0x2] =	sbarrier.arrive $0xFFFF  }
0xac: {  	p0 =	sne.s32 s0, $0x0;
	s0 =	rddreg [dreg:$0x4]  }
0xad: {  	s0 =	sadd.s32 @!p0 $0x100000, s0  }
0xae: {  	[sflag:s0] =	ssyncadd.tile.s32 @!p0 $0x1;
	_ =	shalt  }
.Lfunc_end2:
_tile_overlayer_lowered:
.L_overlay_start_2:
0xaf: {  	(tag) =	ssettag $0x2  }
0xb0: {  	s0 =	rddreg [dreg:$0x0];
	s2 =	stileid.u32  }
0xb1: {  	s1 =	rddreg [dreg:$0x1];
	p0 =	sne.s32 s2, $0x0  }
0xb2: {  	s3 =	rddreg [dreg:$0x2];
	[bflag:$0x3] =	sbarrier.arrive $0xFFFF;
	s2 =	simm.s32 @!p0 $0x1C01  }
0xb3: {  	[timem:s3], [sflag:s2] =	dma.local @!p0 [hbm:s0], s1  }
0xb4: {  	s0 =	simm.s32 @!p0 $0x1  }
0xb5: {  	_ =	swait.ge @!p0 [sflag:s0], s1  }
0xb6: {  	s1 =	ssub.s32 @!p0 $0x0, s1;
	[sflag:s0] =	ssyncset.done @!p0 $0x0  }
0xb7: {  	[sflag:s0] =	ssyncadd.s32 @!p0 s1  }
0xb8: {  	[bflag:$0x3] =	sbarrier.arrive $0xFFFF  }
0xb9: {  	_ =	shalt  }

</sc_bundles>
